<compile_context>
chip_gen: v7x
topology: tpu7x:2x2x1
jax: 0.10.2.dev20260603
libtpu: 0.0.44.dev20260713+nightly
codegen_flags: <defaults>
</compile_context>

<pallas_src>
import functools

import jax
import jax.numpy as jnp
from jax import lax
from jax.experimental import pallas as pl
from jax.experimental.pallas import tpu as pltpu, tpu_sc as plsc

NV = 10000
NE = 10000
NNZ = 320000
C = 128

NCORES = 2
NSUB = 16
NW = NCORES * NSUB
CHUNK = 80
CH_PER_TILE = 128
PAIRS_PER_TILE = CHUNK * CH_PER_TILE
NP_PAD = NW * PAIRS_PER_TILE
AW = 144
ROWS = 10240
RPT = ROWS // NSUB
NCOPY = RPT // CHUNK



def _mm_bias(x, w, b):
    M = x.shape[0]
    G = 8
    R = M // G

    def body(x_ref, w_ref, b_ref, o_ref):
        o_ref[...] = (
            lax.dot_general(x_ref[...], w_ref[...], (((1,), (1,)), ((), ())),
                            preferred_element_type=jnp.float32)
            + b_ref[...]
        )

    return pl.pallas_call(
        body,
        grid=(G,),
        in_specs=[
            pl.BlockSpec((R, C), lambda i: (i, 0)),
            pl.BlockSpec((C, C), lambda i: (0, 0)),
            pl.BlockSpec((1, C), lambda i: (0, 0)),
        ],
        out_specs=pl.BlockSpec((R, C), lambda i: (i, 0)),
        out_shape=jax.ShapeDtypeStruct((M, C), jnp.float32),
    )(x, w, b.reshape(1, C))


def _mid_transform(partials, w, b):
    G = 8
    R = ROWS // G

    def body(p_ref, w_ref, b_ref, o_ref):
        s = p_ref[0] + p_ref[1]
        cnt = jnp.maximum(s[:, C:C + 1], 1.0)
        y = jax.nn.relu(s[:, :C]) / cnt
        o_ref[...] = (
            lax.dot_general(y, w_ref[...], (((1,), (1,)), ((), ())),
                            preferred_element_type=jnp.float32)
            + b_ref[...]
        )

    return pl.pallas_call(
        body,
        grid=(G,),
        in_specs=[
            pl.BlockSpec((2, R, AW), lambda i: (0, i, 0)),
            pl.BlockSpec((C, C), lambda i: (0, 0)),
            pl.BlockSpec((1, C), lambda i: (0, 0)),
        ],
        out_specs=pl.BlockSpec((R, C), lambda i: (i, 0)),
        out_shape=jax.ShapeDtypeStruct((ROWS, C), jnp.float32),
    )(partials, w, b.reshape(1, C))


def _final_mean_relu(partials):
    G = 5
    R = NV // G

    def body(p_ref, o_ref):
        s = p_ref[0] + p_ref[1]
        cnt = jnp.maximum(s[:, C:C + 1], 1.0)
        o_ref[...] = jax.nn.relu(s[:, :C]) / cnt

    return pl.pallas_call(
        body,
        grid=(G,),
        in_specs=[pl.BlockSpec((2, R, AW), lambda i: (0, i, 0))],
        out_specs=pl.BlockSpec((R, C), lambda i: (i, 0)),
        out_shape=jax.ShapeDtypeStruct((NV, C), jnp.float32),
    )(partials)



def _sc_seg_sum(feat_aug, gidx2d, sidx2d, zeros_blk):
    mesh = plsc.VectorSubcoreMesh(core_axis_name="c", subcore_axis_name="s")

    @functools.partial(
        pl.kernel,
        out_type=jax.ShapeDtypeStruct((NCORES, ROWS, AW), jnp.float32),
        mesh=mesh,
        compiler_params=pltpu.CompilerParams(use_tc_tiling_on_sc=False),
        scratch_types=[
            pltpu.VMEM((CH_PER_TILE, CHUNK), jnp.int32),
            pltpu.VMEM((CH_PER_TILE, CHUNK), jnp.int32),
            pltpu.VMEM((CHUNK, AW), jnp.float32),
            pltpu.VMEM_SHARED((ROWS, AW), jnp.float32),
            pltpu.SemaphoreType.DMA,
        ],
    )
    def k(feat_hbm, gidx_hbm, sidx_hbm, zeros_hbm, out_hbm,
          gix_v, six_v, rows_v, acc_sh, sem):
        c = lax.axis_index("c")
        s = lax.axis_index("s")
        tile = s * NCORES + c
        row_base = tile * CH_PER_TILE

        pltpu.sync_copy(gidx_hbm.at[pl.ds(row_base, CH_PER_TILE)], gix_v)
        pltpu.sync_copy(sidx_hbm.at[pl.ds(row_base, CH_PER_TILE)], six_v)

        pltpu.sync_copy(zeros_hbm, rows_v)

        def zbody(kk, carry):
            pltpu.sync_copy(rows_v, acc_sh.at[pl.ds(s * RPT + kk * CHUNK, CHUNK)])
            return carry

        lax.fori_loop(0, NCOPY, zbody, 0)
        plsc.subcore_barrier()

        def body(j, carry):
            pltpu.async_copy(feat_hbm.at[gix_v.at[j]], rows_v, sem).wait()
            pltpu.sync_copy(rows_v, acc_sh.at[six_v.at[j]], add=True)
            return carry

        lax.fori_loop(0, CH_PER_TILE, body, 0)
        plsc.subcore_barrier()

        def obody(kk, carry):
            pltpu.sync_copy(acc_sh.at[pl.ds(s * RPT + kk * CHUNK, CHUNK)], rows_v)
            pltpu.sync_copy(rows_v, out_hbm.at[c, pl.ds(s * RPT + kk * CHUNK, CHUNK)])
            return carry

        lax.fori_loop(0, NCOPY, obody, 0)

    return k(feat_aug, gidx2d, sidx2d, zeros_blk)



def kernel(X, Wv, bv, We, be, edge_index):
    v_idx = edge_index[0].astype(jnp.int32)
    e_idx = edge_index[1].astype(jnp.int32)
    pad = NP_PAD - NNZ
    dummy = jnp.full((pad,), NV, dtype=jnp.int32)
    vg = jnp.concatenate([v_idx, dummy]).reshape(NW * CH_PER_TILE, CHUNK)
    eg = jnp.concatenate([e_idx, dummy]).reshape(NW * CH_PER_TILE, CHUNK)

    zeros_blk = jnp.zeros((CHUNK, AW), jnp.float32)
    ones_col = jnp.ones((ROWS, 1), jnp.float32)
    pad_cols = jnp.zeros((ROWS, AW - C - 1), jnp.float32)

    Xpad = jnp.concatenate([X, jnp.zeros((ROWS - NV, C), jnp.float32)], axis=0)
    Xp = _mm_bias(Xpad, Wv, bv)
    Xp_aug = jnp.concatenate([Xp, ones_col, pad_cols], axis=1)

    p1 = _sc_seg_sum(Xp_aug, vg, eg, zeros_blk)

    Yp = _mid_transform(p1, We, be)
    Yp_aug = jnp.concatenate([Yp, ones_col, pad_cols], axis=1)

    p2 = _sc_seg_sum(Yp_aug, eg, vg, zeros_blk)

    return _final_mean_relu(p2)

# --- scband reference (transcript-rebuilt; emitter-appended) ---
"""Pipeline reference for scband-hnhnconv-18348100288551 (READ-ONLY COPY).

The authoritative reference and input builder live on the scoring server;
editing this copy changes nothing except your own understanding.
"""

import jax, jax.numpy as jnp
import numpy as np

NV = 10000      # number of vertices
NE = 10000      # number of hyperedges
NNZ = 320000    # incidence pairs
C_IN = 128
C_OUT = 128


def setup_inputs(seed: int = 0) -> dict:
    key = jax.random.key(seed)
    k1, k2, k3, k4, k5, k6 = jax.random.split(key, 6)
    X = jax.random.normal(k1, (NV, C_IN), dtype=jnp.float32)
    # edge_index[0] = vertex ids, edge_index[1] = hyperedge ids (hypergraph incidence pairs)
    edge_index = jax.random.randint(k2, (2, NNZ), 0, NV)
    # learned parameters (torch nn.Linear convention: W [out, in], y = x @ W.T + b)
    Wv = jax.random.normal(k3, (C_OUT, C_IN), dtype=jnp.float32) * (1.0 / np.sqrt(C_IN))
    bv = jax.random.normal(k4, (C_OUT,), dtype=jnp.float32) * 0.01
    We = jax.random.normal(k5, (C_OUT, C_OUT), dtype=jnp.float32) * (1.0 / np.sqrt(C_OUT))
    be = jax.random.normal(k6, (C_OUT,), dtype=jnp.float32) * 0.01
    return {"X": X, "Wv": Wv, "bv": bv, "We": We, "be": be, "edge_index": edge_index}


def _segment_mean(vals, seg_ids, num_segments):
    s = jax.ops.segment_sum(vals, seg_ids, num_segments=num_segments)
    cnt = jax.ops.segment_sum(jnp.ones((vals.shape[0],), dtype=vals.dtype), seg_ids, num_segments=num_segments)
    cnt = jnp.clip(cnt, 1.0, None)
    return s / cnt[:, None]


def reference(X, Wv, bv, We, be, edge_index):
    v_idx = edge_index[0]
    e_idx = edge_index[1]
    # theta_v2e
    Xp = X @ Wv.T + bv
    # hg.v2e(Xp, aggr='mean'): gather vertex features per incidence, mean-reduce into hyperedges
    msg_v2e = jnp.take(Xp, v_idx, axis=0)
    Y = jax.nn.relu(_segment_mean(msg_v2e, e_idx, NE))
    # theta_e2v
    Yp = Y @ We.T + be
    # hg.e2v(Yp, aggr='mean'): gather hyperedge features per incidence, mean-reduce into vertices
    msg_e2v = jnp.take(Yp, e_idx, axis=0)
    Xout = _segment_mean(msg_e2v, v_idx, NV)
    # not is_last: final activation (use_bn=False, drop_rate=0.0 -> dropout is identity)
    Xout = jax.nn.relu(Xout)
    return Xout

if __name__ == "__main__":
    import jax
    _d = setup_inputs()
    print(jax.jit(kernel)(*tuple(_d.values())))

</pallas_src>

<mosaic_0001>
#map = affine_map<(d0, d1) -> (0, 0)>
#map1 = affine_map<(d0, d1) -> (0, 0, 0)>
module attributes {stable_mosaic.version = 14 : i64} {
  func.func @k(%arg0: i32, %arg1: i32, %arg2: memref<10240x144xf32, #tpu.memory_space<hbm>>, %arg3: memref<4096x80xi32, #tpu.memory_space<hbm>>, %arg4: memref<4096x80xi32, #tpu.memory_space<hbm>>, %arg5: memref<80x144xf32, #tpu.memory_space<hbm>>, %arg6: memref<2x10240x144xf32, #tpu.memory_space<hbm>>, %arg7: memref<128x80xi32, #tpu.memory_space<vmem>>, %arg8: memref<128x80xi32, #tpu.memory_space<vmem>>, %arg9: memref<80x144xf32, #tpu.memory_space<vmem>>, %arg10: memref<10240x144xf32, #tpu.memory_space<vmem_shared>>, %arg11: memref<!tpu.dma_semaphore, #tpu.memory_space<semaphore_mem>>) attributes {dimension_semantics = [#tpu.dimension_semantics<core_parallel>, #tpu.dimension_semantics<subcore_parallel>], iteration_bounds = array<i64: 2, 16>, scalar_prefetch = 0 : i64, scratch_operands = 5 : i64, tpu.core_type = #tpu.core_type<sc_vector_subcore>, window_params = [{transform_indices = #map}, {transform_indices = #map}, {transform_indices = #map}, {transform_indices = #map}, {transform_indices = #map1}]} {
    %mul3A = arith.constant 2 : i32
    %mul3A_0 = arith.muli %arg1, %mul3A : i32
    %add3A = arith.addi %mul3A_0, %arg0 : i32
    %mul3A_1 = arith.constant 128 : i32
    %mul3A_2 = arith.muli %add3A, %mul3A_1 : i32
    "tpu.region"() ({
      %run_scoped3A = tpu.sem_alloc : memref<!tpu.dma_semaphore, #tpu.memory_space<semaphore_mem>>
      %dma_start3A = arith.constant 0 : i32
      %dma_start3A_21 = tpu.memref_slice %arg3[%mul3A_2, %dma_start3A] : memref<4096x80xi32, #tpu.memory_space<hbm>> -> memref<128x80xi32, #tpu.memory_space<hbm>>
      %dma_start3A_22 = arith.constant 0 : i32
      %dma_start3A_23 = tpu.memref_slice %arg3[%mul3A_2, %dma_start3A_22] : memref<4096x80xi32, #tpu.memory_space<hbm>> -> memref<128x80xi32, #tpu.memory_space<hbm>>
      tpu.enqueue_dma source(%dma_start3A_23 : memref<128x80xi32, #tpu.memory_space<hbm>>) target(%arg7 : memref<128x80xi32, #tpu.memory_space<vmem>>) target_semaphore(%run_scoped3A : memref<!tpu.dma_semaphore, #tpu.memory_space<semaphore_mem>>)
      %dma_wait3A = arith.constant 0 : i32
      %dma_wait3A_24 = tpu.memref_slice %arg3[%mul3A_2, %dma_wait3A] : memref<4096x80xi32, #tpu.memory_space<hbm>> -> memref<128x80xi32, #tpu.memory_space<hbm>>
      %dma_wait3A_25 = arith.constant 0 : i32
      %dma_wait3A_26 = tpu.memref_slice %arg3[%mul3A_2, %dma_wait3A_25] : memref<4096x80xi32, #tpu.memory_space<hbm>> -> memref<128x80xi32, #tpu.memory_space<hbm>>
      tpu.wait_dma2 semaphore(%run_scoped3A : memref<!tpu.dma_semaphore, #tpu.memory_space<semaphore_mem>>) src(%dma_wait3A_26 : memref<128x80xi32, #tpu.memory_space<hbm>>) dst(%arg7 : memref<128x80xi32, #tpu.memory_space<vmem>>)
      tpu.yield
    }) : () -> ()
    "tpu.region"() ({
      %run_scoped3A = tpu.sem_alloc : memref<!tpu.dma_semaphore, #tpu.memory_space<semaphore_mem>>
      %dma_start3A = arith.constant 0 : i32
      %dma_start3A_21 = tpu.memref_slice %arg4[%mul3A_2, %dma_start3A] : memref<4096x80xi32, #tpu.memory_space<hbm>> -> memref<128x80xi32, #tpu.memory_space<hbm>>
      %dma_start3A_22 = arith.constant 0 : i32
      %dma_start3A_23 = tpu.memref_slice %arg4[%mul3A_2, %dma_start3A_22] : memref<4096x80xi32, #tpu.memory_space<hbm>> -> memref<128x80xi32, #tpu.memory_space<hbm>>
      tpu.enqueue_dma source(%dma_start3A_23 : memref<128x80xi32, #tpu.memory_space<hbm>>) target(%arg8 : memref<128x80xi32, #tpu.memory_space<vmem>>) target_semaphore(%run_scoped3A : memref<!tpu.dma_semaphore, #tpu.memory_space<semaphore_mem>>)
      %dma_wait3A = arith.constant 0 : i32
      %dma_wait3A_24 = tpu.memref_slice %arg4[%mul3A_2, %dma_wait3A] : memref<4096x80xi32, #tpu.memory_space<hbm>> -> memref<128x80xi32, #tpu.memory_space<hbm>>
      %dma_wait3A_25 = arith.constant 0 : i32
      %dma_wait3A_26 = tpu.memref_slice %arg4[%mul3A_2, %dma_wait3A_25] : memref<4096x80xi32, #tpu.memory_space<hbm>> -> memref<128x80xi32, #tpu.memory_space<hbm>>
      tpu.wait_dma2 semaphore(%run_scoped3A : memref<!tpu.dma_semaphore, #tpu.memory_space<semaphore_mem>>) src(%dma_wait3A_26 : memref<128x80xi32, #tpu.memory_space<hbm>>) dst(%arg8 : memref<128x80xi32, #tpu.memory_space<vmem>>)
      tpu.yield
    }) : () -> ()
    "tpu.region"() ({
      %run_scoped3A = tpu.sem_alloc : memref<!tpu.dma_semaphore, #tpu.memory_space<semaphore_mem>>
      tpu.enqueue_dma source(%arg5 : memref<80x144xf32, #tpu.memory_space<hbm>>) target(%arg9 : memref<80x144xf32, #tpu.memory_space<vmem>>) target_semaphore(%run_scoped3A : memref<!tpu.dma_semaphore, #tpu.memory_space<semaphore_mem>>)
      tpu.wait_dma2 semaphore(%run_scoped3A : memref<!tpu.dma_semaphore, #tpu.memory_space<semaphore_mem>>) src(%arg5 : memref<80x144xf32, #tpu.memory_space<hbm>>) dst(%arg9 : memref<80x144xf32, #tpu.memory_space<vmem>>)
      tpu.yield
    }) : () -> ()
    %scan3A = arith.constant 0 : i32
    %scan3A_3 = arith.constant 0 : i32
    %scan3A_4 = arith.constant 8 : i32
    %scan3A_5 = arith.addi %scan3A_3, %scan3A_4 : i32
    %scan3A_6 = arith.constant 1 : i32
    scf.for %scan3A_21 = %scan3A_3 to %scan3A_5 step %scan3A_6  : i32 {
      %mul3A_22 = arith.constant 640 : i32
      %mul3A_23 = arith.muli %arg1, %mul3A_22 : i32
      %mul3A_24 = arith.constant 80 : i32
      %mul3A_25 = arith.muli %scan3A_21, %mul3A_24 : i32
      %add3A_26 = arith.addi %mul3A_23, %mul3A_25 : i32
      "tpu.region"() ({
        %run_scoped3A = tpu.sem_alloc : memref<!tpu.dma_semaphore, #tpu.memory_space<semaphore_mem>>
        %dma_start3A = arith.constant 0 : i32
        %dma_start3A_27 = tpu.memref_slice %arg10[%add3A_26, %dma_start3A] : memref<10240x144xf32, #tpu.memory_space<vmem_shared>> -> memref<80x144xf32, #tpu.memory_space<vmem_shared>>
        %dma_start3A_28 = arith.constant 0 : i32
        %dma_start3A_29 = tpu.memref_slice %arg10[%add3A_26, %dma_start3A_28] : memref<10240x144xf32, #tpu.memory_space<vmem_shared>> -> memref<80x144xf32, #tpu.memory_space<vmem_shared>>
        tpu.enqueue_dma source(%arg9 : memref<80x144xf32, #tpu.memory_space<vmem>>) target(%dma_start3A_29 : memref<80x144xf32, #tpu.memory_space<vmem_shared>>) target_semaphore(%run_scoped3A : memref<!tpu.dma_semaphore, #tpu.memory_space<semaphore_mem>>)
        %dma_wait3A = arith.constant 0 : i32
        %dma_wait3A_30 = tpu.memref_slice %arg10[%add3A_26, %dma_wait3A] : memref<10240x144xf32, #tpu.memory_space<vmem_shared>> -> memref<80x144xf32, #tpu.memory_space<vmem_shared>>
        %dma_wait3A_31 = arith.constant 0 : i32
        %dma_wait3A_32 = tpu.memref_slice %arg10[%add3A_26, %dma_wait3A_31] : memref<10240x144xf32, #tpu.memory_space<vmem_shared>> -> memref<80x144xf32, #tpu.memory_space<vmem_shared>>
        tpu.wait_dma2 semaphore(%run_scoped3A : memref<!tpu.dma_semaphore, #tpu.memory_space<semaphore_mem>>) src(%arg9 : memref<80x144xf32, #tpu.memory_space<vmem>>) dst(%dma_wait3A_32 : memref<80x144xf32, #tpu.memory_space<vmem_shared>>)
        tpu.yield
      }) : () -> ()
    }
    %scan3A_7 = arith.constant 8 : i32
    %barrier3A = arith.constant 0 : index
    tpu.barrier barrier_id(%barrier3A)
    %scan3A_8 = arith.constant 0 : i32
    %scan3A_9 = arith.constant 0 : i32
    %scan3A_10 = arith.constant 128 : i32
    %scan3A_11 = arith.addi %scan3A_9, %scan3A_10 : i32
    %scan3A_12 = arith.constant 1 : i32
    scf.for %scan3A_21 = %scan3A_9 to %scan3A_11 step %scan3A_12  : i32 {
      %dma_start3A = arith.constant 0 : i32
      %dma_start3A_22 = tpu.memref_slice %arg7[%scan3A_21, %dma_start3A] : memref<128x80xi32, #tpu.memory_space<vmem>> -> memref<1x80xi32, #tpu.memory_space<vmem>>
      %dma_start3A_23 = tpu.memref_squeeze %dma_start3A_22 : memref<1x80xi32, #tpu.memory_space<vmem>> -> memref<80xi32, #tpu.memory_space<vmem>>
      %dma_start3A_24 = arith.constant 0 : i32
      %dma_start3A_25 = arith.constant 0 : i32
      %dma_start3A_26 = tpu.memref_slice %arg2[%dma_start3A_24, %dma_start3A_25] : memref<10240x144xf32, #tpu.memory_space<hbm>> -> memref<10240x144xf32, #tpu.memory_space<hbm>>
      tpu.enqueue_indirect_dma source(%dma_start3A_26 : memref<10240x144xf32, #tpu.memory_space<hbm>>) target(%arg9 : memref<80x144xf32, #tpu.memory_space<vmem>>) offsets(%dma_start3A_23 : memref<80xi32, #tpu.memory_space<vmem>>) semaphore(%arg11 : memref<!tpu.dma_semaphore, #tpu.memory_space<semaphore_mem>>)
      %dma_wait3A = arith.constant 0 : i32
      %dma_wait3A_27 = tpu.memref_slice %arg7[%scan3A_21, %dma_wait3A] : memref<128x80xi32, #tpu.memory_space<vmem>> -> memref<1x80xi32, #tpu.memory_space<vmem>>
      %dma_wait3A_28 = tpu.memref_squeeze %dma_wait3A_27 : memref<1x80xi32, #tpu.memory_space<vmem>> -> memref<80xi32, #tpu.memory_space<vmem>>
      %dma_wait3A_29 = arith.constant 0 : i32
      %dma_wait3A_30 = arith.constant 0 : i32
      %dma_wait3A_31 = tpu.memref_slice %arg2[%dma_wait3A_29, %dma_wait3A_30] : memref<10240x144xf32, #tpu.memory_space<hbm>> -> memref<10240x144xf32, #tpu.memory_space<hbm>>
      tpu.wait_indirect_dma semaphore(%arg11 : memref<!tpu.dma_semaphore, #tpu.memory_space<semaphore_mem>>) src(%dma_wait3A_31 : memref<10240x144xf32, #tpu.memory_space<hbm>>) dst(%arg9 : memref<80x144xf32, #tpu.memory_space<vmem>>)
      "tpu.region"() ({
        %run_scoped3A = tpu.sem_alloc : memref<!tpu.dma_semaphore, #tpu.memory_space<semaphore_mem>>
        %dma_start3A_32 = arith.constant 0 : i32
        %dma_start3A_33 = tpu.memref_slice %arg8[%scan3A_21, %dma_start3A_32] : memref<128x80xi32, #tpu.memory_space<vmem>> -> memref<1x80xi32, #tpu.memory_space<vmem>>
        %dma_start3A_34 = tpu.memref_squeeze %dma_start3A_33 : memref<1x80xi32, #tpu.memory_space<vmem>> -> memref<80xi32, #tpu.memory_space<vmem>>
        %dma_start3A_35 = arith.constant 0 : i32
        %dma_start3A_36 = arith.constant 0 : i32
        %dma_start3A_37 = tpu.memref_slice %arg10[%dma_start3A_35, %dma_start3A_36] : memref<10240x144xf32, #tpu.memory_space<vmem_shared>> -> memref<10240x144xf32, #tpu.memory_space<vmem_shared>>
        tpu.enqueue_indirect_dma source(%arg9 : memref<80x144xf32, #tpu.memory_space<vmem>>) target(%dma_start3A_37 : memref<10240x144xf32, #tpu.memory_space<vmem_shared>>) offsets(%dma_start3A_34 : memref<80xi32, #tpu.memory_space<vmem>>) semaphore(%run_scoped3A : memref<!tpu.dma_semaphore, #tpu.memory_space<semaphore_mem>>) {add = true}
        %dma_wait3A_38 = arith.constant 0 : i32
        %dma_wait3A_39 = tpu.memref_slice %arg8[%scan3A_21, %dma_wait3A_38] : memref<128x80xi32, #tpu.memory_space<vmem>> -> memref<1x80xi32, #tpu.memory_space<vmem>>
        %dma_wait3A_40 = tpu.memref_squeeze %dma_wait3A_39 : memref<1x80xi32, #tpu.memory_space<vmem>> -> memref<80xi32, #tpu.memory_space<vmem>>
        %dma_wait3A_41 = arith.constant 0 : i32
        %dma_wait3A_42 = arith.constant 0 : i32
        %dma_wait3A_43 = tpu.memref_slice %arg10[%dma_wait3A_41, %dma_wait3A_42] : memref<10240x144xf32, #tpu.memory_space<vmem_shared>> -> memref<10240x144xf32, #tpu.memory_space<vmem_shared>>
        tpu.wait_indirect_dma semaphore(%run_scoped3A : memref<!tpu.dma_semaphore, #tpu.memory_space<semaphore_mem>>) src(%arg9 : memref<80x144xf32, #tpu.memory_space<vmem>>) dst(%dma_wait3A_43 : memref<10240x144xf32, #tpu.memory_space<vmem_shared>>)
        tpu.yield
      }) : () -> ()
    }
    %scan3A_13 = arith.constant 128 : i32
    %barrier3A_14 = arith.constant 0 : index
    tpu.barrier barrier_id(%barrier3A_14)
    %scan3A_15 = arith.constant 0 : i32
    %scan3A_16 = arith.constant 0 : i32
    %scan3A_17 = arith.constant 8 : i32
    %scan3A_18 = arith.addi %scan3A_16, %scan3A_17 : i32
    %scan3A_19 = arith.constant 1 : i32
    scf.for %scan3A_21 = %scan3A_16 to %scan3A_18 step %scan3A_19  : i32 {
      %mul3A_22 = arith.constant 640 : i32
      %mul3A_23 = arith.muli %arg1, %mul3A_22 : i32
      %mul3A_24 = arith.constant 80 : i32
      %mul3A_25 = arith.muli %scan3A_21, %mul3A_24 : i32
      %add3A_26 = arith.addi %mul3A_23, %mul3A_25 : i32
      "tpu.region"() ({
        %run_scoped3A = tpu.sem_alloc : memref<!tpu.dma_semaphore, #tpu.memory_space<semaphore_mem>>
        %dma_start3A = arith.constant 0 : i32
        %dma_start3A_32 = tpu.memref_slice %arg10[%add3A_26, %dma_start3A] : memref<10240x144xf32, #tpu.memory_space<vmem_shared>> -> memref<80x144xf32, #tpu.memory_space<vmem_shared>>
        %dma_start3A_33 = arith.constant 0 : i32
        %dma_start3A_34 = tpu.memref_slice %arg10[%add3A_26, %dma_start3A_33] : memref<10240x144xf32, #tpu.memory_space<vmem_shared>> -> memref<80x144xf32, #tpu.memory_space<vmem_shared>>
        tpu.enqueue_dma source(%dma_start3A_34 : memref<80x144xf32, #tpu.memory_space<vmem_shared>>) target(%arg9 : memref<80x144xf32, #tpu.memory_space<vmem>>) target_semaphore(%run_scoped3A : memref<!tpu.dma_semaphore, #tpu.memory_space<semaphore_mem>>)
        %dma_wait3A = arith.constant 0 : i32
        %dma_wait3A_35 = tpu.memref_slice %arg10[%add3A_26, %dma_wait3A] : memref<10240x144xf32, #tpu.memory_space<vmem_shared>> -> memref<80x144xf32, #tpu.memory_space<vmem_shared>>
        %dma_wait3A_36 = arith.constant 0 : i32
        %dma_wait3A_37 = tpu.memref_slice %arg10[%add3A_26, %dma_wait3A_36] : memref<10240x144xf32, #tpu.memory_space<vmem_shared>> -> memref<80x144xf32, #tpu.memory_space<vmem_shared>>
        tpu.wait_dma2 semaphore(%run_scoped3A : memref<!tpu.dma_semaphore, #tpu.memory_space<semaphore_mem>>) src(%dma_wait3A_37 : memref<80x144xf32, #tpu.memory_space<vmem_shared>>) dst(%arg9 : memref<80x144xf32, #tpu.memory_space<vmem>>)
        tpu.yield
      }) : () -> ()
      %mul3A_27 = arith.constant 640 : i32
      %mul3A_28 = arith.muli %arg1, %mul3A_27 : i32
      %mul3A_29 = arith.constant 80 : i32
      %mul3A_30 = arith.muli %scan3A_21, %mul3A_29 : i32
      %add3A_31 = arith.addi %mul3A_28, %mul3A_30 : i32
      "tpu.region"() ({
        %run_scoped3A = tpu.sem_alloc : memref<!tpu.dma_semaphore, #tpu.memory_space<semaphore_mem>>
        %dma_start3A = arith.constant 0 : i32
        %dma_start3A_32 = tpu.memref_slice %arg6[%arg0, %add3A_31, %dma_start3A] : memref<2x10240x144xf32, #tpu.memory_space<hbm>> -> memref<1x80x144xf32, #tpu.memory_space<hbm>>
        %dma_start3A_33 = tpu.memref_squeeze %dma_start3A_32 : memref<1x80x144xf32, #tpu.memory_space<hbm>> -> memref<80x144xf32, #tpu.memory_space<hbm>>
        %dma_start3A_34 = arith.constant 0 : i32
        %dma_start3A_35 = tpu.memref_slice %arg6[%arg0, %add3A_31, %dma_start3A_34] : memref<2x10240x144xf32, #tpu.memory_space<hbm>> -> memref<1x80x144xf32, #tpu.memory_space<hbm>>
        %dma_start3A_36 = tpu.memref_squeeze %dma_start3A_35 : memref<1x80x144xf32, #tpu.memory_space<hbm>> -> memref<80x144xf32, #tpu.memory_space<hbm>>
        tpu.enqueue_dma source(%arg9 : memref<80x144xf32, #tpu.memory_space<vmem>>) target(%dma_start3A_36 : memref<80x144xf32, #tpu.memory_space<hbm>>) target_semaphore(%run_scoped3A : memref<!tpu.dma_semaphore, #tpu.memory_space<semaphore_mem>>)
        %dma_wait3A = arith.constant 0 : i32
        %dma_wait3A_37 = tpu.memref_slice %arg6[%arg0, %add3A_31, %dma_wait3A] : memref<2x10240x144xf32, #tpu.memory_space<hbm>> -> memref<1x80x144xf32, #tpu.memory_space<hbm>>
        %dma_wait3A_38 = tpu.memref_squeeze %dma_wait3A_37 : memref<1x80x144xf32, #tpu.memory_space<hbm>> -> memref<80x144xf32, #tpu.memory_space<hbm>>
        %dma_wait3A_39 = arith.constant 0 : i32
        %dma_wait3A_40 = tpu.memref_slice %arg6[%arg0, %add3A_31, %dma_wait3A_39] : memref<2x10240x144xf32, #tpu.memory_space<hbm>> -> memref<1x80x144xf32, #tpu.memory_space<hbm>>
        %dma_wait3A_41 = tpu.memref_squeeze %dma_wait3A_40 : memref<1x80x144xf32, #tpu.memory_space<hbm>> -> memref<80x144xf32, #tpu.memory_space<hbm>>
        tpu.wait_dma2 semaphore(%run_scoped3A : memref<!tpu.dma_semaphore, #tpu.memory_space<semaphore_mem>>) src(%arg9 : memref<80x144xf32, #tpu.memory_space<vmem>>) dst(%dma_wait3A_41 : memref<80x144xf32, #tpu.memory_space<hbm>>)
        tpu.yield
      }) : () -> ()
    }
    %scan3A_20 = arith.constant 8 : i32
    return
  }
}

#map = affine_map<(d0, d1) -> (0, 0)>
#map1 = affine_map<(d0, d1) -> (0, 0, 0)>
module attributes {stable_mosaic.version = 14 : i64} {
  func.func @k(%arg0: i32, %arg1: i32, %arg2: memref<10240x144xf32, #tpu.memory_space<hbm>>, %arg3: memref<4096x80xi32, #tpu.memory_space<hbm>>, %arg4: memref<4096x80xi32, #tpu.memory_space<hbm>>, %arg5: memref<80x144xf32, #tpu.memory_space<hbm>>, %arg6: memref<2x10240x144xf32, #tpu.memory_space<hbm>>, %arg7: memref<128x80xi32, #tpu.memory_space<vmem>>, %arg8: memref<128x80xi32, #tpu.memory_space<vmem>>, %arg9: memref<80x144xf32, #tpu.memory_space<vmem>>, %arg10: memref<10240x144xf32, #tpu.memory_space<vmem_shared>>, %arg11: memref<!tpu.dma_semaphore, #tpu.memory_space<semaphore_mem>>) attributes {dimension_semantics = [#tpu.dimension_semantics<core_parallel>, #tpu.dimension_semantics<subcore_parallel>], iteration_bounds = array<i64: 2, 16>, scalar_prefetch = 0 : i64, scratch_operands = 5 : i64, tpu.core_type = #tpu.core_type<sc_vector_subcore>, window_params = [{transform_indices = #map}, {transform_indices = #map}, {transform_indices = #map}, {transform_indices = #map}, {transform_indices = #map1}]} {
    %mul3A = arith.constant 2 : i32
    %mul3A_0 = arith.muli %arg1, %mul3A : i32
    %add3A = arith.addi %mul3A_0, %arg0 : i32
    %mul3A_1 = arith.constant 128 : i32
    %mul3A_2 = arith.muli %add3A, %mul3A_1 : i32
    "tpu.region"() ({
      %run_scoped3A = tpu.sem_alloc : memref<!tpu.dma_semaphore, #tpu.memory_space<semaphore_mem>>
      %dma_start3A = arith.constant 0 : i32
      %dma_start3A_21 = tpu.memref_slice %arg3[%mul3A_2, %dma_start3A] : memref<4096x80xi32, #tpu.memory_space<hbm>> -> memref<128x80xi32, #tpu.memory_space<hbm>>
      %dma_start3A_22 = arith.constant 0 : i32
      %dma_start3A_23 = tpu.memref_slice %arg3[%mul3A_2, %dma_start3A_22] : memref<4096x80xi32, #tpu.memory_space<hbm>> -> memref<128x80xi32, #tpu.memory_space<hbm>>
      tpu.enqueue_dma source(%dma_start3A_23 : memref<128x80xi32, #tpu.memory_space<hbm>>) target(%arg7 : memref<128x80xi32, #tpu.memory_space<vmem>>) target_semaphore(%run_scoped3A : memref<!tpu.dma_semaphore, #tpu.memory_space<semaphore_mem>>)
      %dma_wait3A = arith.constant 0 : i32
      %dma_wait3A_24 = tpu.memref_slice %arg3[%mul3A_2, %dma_wait3A] : memref<4096x80xi32, #tpu.memory_space<hbm>> -> memref<128x80xi32, #tpu.memory_space<hbm>>
      %dma_wait3A_25 = arith.constant 0 : i32
      %dma_wait3A_26 = tpu.memref_slice %arg3[%mul3A_2, %dma_wait3A_25] : memref<4096x80xi32, #tpu.memory_space<hbm>> -> memref<128x80xi32, #tpu.memory_space<hbm>>
      tpu.wait_dma2 semaphore(%run_scoped3A : memref<!tpu.dma_semaphore, #tpu.memory_space<semaphore_mem>>) src(%dma_wait3A_26 : memref<128x80xi32, #tpu.memory_space<hbm>>) dst(%arg7 : memref<128x80xi32, #tpu.memory_space<vmem>>)
      tpu.yield
    }) : () -> ()
    "tpu.region"() ({
      %run_scoped3A = tpu.sem_alloc : memref<!tpu.dma_semaphore, #tpu.memory_space<semaphore_mem>>
      %dma_start3A = arith.constant 0 : i32
      %dma_start3A_21 = tpu.memref_slice %arg4[%mul3A_2, %dma_start3A] : memref<4096x80xi32, #tpu.memory_space<hbm>> -> memref<128x80xi32, #tpu.memory_space<hbm>>
      %dma_start3A_22 = arith.constant 0 : i32
      %dma_start3A_23 = tpu.memref_slice %arg4[%mul3A_2, %dma_start3A_22] : memref<4096x80xi32, #tpu.memory_space<hbm>> -> memref<128x80xi32, #tpu.memory_space<hbm>>
      tpu.enqueue_dma source(%dma_start3A_23 : memref<128x80xi32, #tpu.memory_space<hbm>>) target(%arg8 : memref<128x80xi32, #tpu.memory_space<vmem>>) target_semaphore(%run_scoped3A : memref<!tpu.dma_semaphore, #tpu.memory_space<semaphore_mem>>)
      %dma_wait3A = arith.constant 0 : i32
      %dma_wait3A_24 = tpu.memref_slice %arg4[%mul3A_2, %dma_wait3A] : memref<4096x80xi32, #tpu.memory_space<hbm>> -> memref<128x80xi32, #tpu.memory_space<hbm>>
      %dma_wait3A_25 = arith.constant 0 : i32
      %dma_wait3A_26 = tpu.memref_slice %arg4[%mul3A_2, %dma_wait3A_25] : memref<4096x80xi32, #tpu.memory_space<hbm>> -> memref<128x80xi32, #tpu.memory_space<hbm>>
      tpu.wait_dma2 semaphore(%run_scoped3A : memref<!tpu.dma_semaphore, #tpu.memory_space<semaphore_mem>>) src(%dma_wait3A_26 : memref<128x80xi32, #tpu.memory_space<hbm>>) dst(%arg8 : memref<128x80xi32, #tpu.memory_space<vmem>>)
      tpu.yield
    }) : () -> ()
    "tpu.region"() ({
      %run_scoped3A = tpu.sem_alloc : memref<!tpu.dma_semaphore, #tpu.memory_space<semaphore_mem>>
      tpu.enqueue_dma source(%arg5 : memref<80x144xf32, #tpu.memory_space<hbm>>) target(%arg9 : memref<80x144xf32, #tpu.memory_space<vmem>>) target_semaphore(%run_scoped3A : memref<!tpu.dma_semaphore, #tpu.memory_space<semaphore_mem>>)
      tpu.wait_dma2 semaphore(%run_scoped3A : memref<!tpu.dma_semaphore, #tpu.memory_space<semaphore_mem>>) src(%arg5 : memref<80x144xf32, #tpu.memory_space<hbm>>) dst(%arg9 : memref<80x144xf32, #tpu.memory_space<vmem>>)
      tpu.yield
    }) : () -> ()
    %scan3A = arith.constant 0 : i32
    %scan3A_3 = arith.constant 0 : i32
    %scan3A_4 = arith.constant 8 : i32
    %scan3A_5 = arith.addi %scan3A_3, %scan3A_4 : i32
    %scan3A_6 = arith.constant 1 : i32
    scf.for %scan3A_21 = %scan3A_3 to %scan3A_5 step %scan3A_6  : i32 {
      %mul3A_22 = arith.constant 640 : i32
      %mul3A_23 = arith.muli %arg1, %mul3A_22 : i32
      %mul3A_24 = arith.constant 80 : i32
      %mul3A_25 = arith.muli %scan3A_21, %mul3A_24 : i32
      %add3A_26 = arith.addi %mul3A_23, %mul3A_25 : i32
      "tpu.region"() ({
        %run_scoped3A = tpu.sem_alloc : memref<!tpu.dma_semaphore, #tpu.memory_space<semaphore_mem>>
        %dma_start3A = arith.constant 0 : i32
        %dma_start3A_27 = tpu.memref_slice %arg10[%add3A_26, %dma_start3A] : memref<10240x144xf32, #tpu.memory_space<vmem_shared>> -> memref<80x144xf32, #tpu.memory_space<vmem_shared>>
        %dma_start3A_28 = arith.constant 0 : i32
        %dma_start3A_29 = tpu.memref_slice %arg10[%add3A_26, %dma_start3A_28] : memref<10240x144xf32, #tpu.memory_space<vmem_shared>> -> memref<80x144xf32, #tpu.memory_space<vmem_shared>>
        tpu.enqueue_dma source(%arg9 : memref<80x144xf32, #tpu.memory_space<vmem>>) target(%dma_start3A_29 : memref<80x144xf32, #tpu.memory_space<vmem_shared>>) target_semaphore(%run_scoped3A : memref<!tpu.dma_semaphore, #tpu.memory_space<semaphore_mem>>)
        %dma_wait3A = arith.constant 0 : i32
        %dma_wait3A_30 = tpu.memref_slice %arg10[%add3A_26, %dma_wait3A] : memref<10240x144xf32, #tpu.memory_space<vmem_shared>> -> memref<80x144xf32, #tpu.memory_space<vmem_shared>>
        %dma_wait3A_31 = arith.constant 0 : i32
        %dma_wait3A_32 = tpu.memref_slice %arg10[%add3A_26, %dma_wait3A_31] : memref<10240x144xf32, #tpu.memory_space<vmem_shared>> -> memref<80x144xf32, #tpu.memory_space<vmem_shared>>
        tpu.wait_dma2 semaphore(%run_scoped3A : memref<!tpu.dma_semaphore, #tpu.memory_space<semaphore_mem>>) src(%arg9 : memref<80x144xf32, #tpu.memory_space<vmem>>) dst(%dma_wait3A_32 : memref<80x144xf32, #tpu.memory_space<vmem_shared>>)
        tpu.yield
      }) : () -> ()
    }
    %scan3A_7 = arith.constant 8 : i32
    %barrier3A = arith.constant 0 : index
    tpu.barrier barrier_id(%barrier3A)
    %scan3A_8 = arith.constant 0 : i32
    %scan3A_9 = arith.constant 0 : i32
    %scan3A_10 = arith.constant 128 : i32
    %scan3A_11 = arith.addi %scan3A_9, %scan3A_10 : i32
    %scan3A_12 = arith.constant 1 : i32
    scf.for %scan3A_21 = %scan3A_9 to %scan3A_11 step %scan3A_12  : i32 {
      %dma_start3A = arith.constant 0 : i32
      %dma_start3A_22 = tpu.memref_slice %arg7[%scan3A_21, %dma_start3A] : memref<128x80xi32, #tpu.memory_space<vmem>> -> memref<1x80xi32, #tpu.memory_space<vmem>>
      %dma_start3A_23 = tpu.memref_squeeze %dma_start3A_22 : memref<1x80xi32, #tpu.memory_space<vmem>> -> memref<80xi32, #tpu.memory_space<vmem>>
      %dma_start3A_24 = arith.constant 0 : i32
      %dma_start3A_25 = arith.constant 0 : i32
      %dma_start3A_26 = tpu.memref_slice %arg2[%dma_start3A_24, %dma_start3A_25] : memref<10240x144xf32, #tpu.memory_space<hbm>> -> memref<10240x144xf32, #tpu.memory_space<hbm>>
      tpu.enqueue_indirect_dma source(%dma_start3A_26 : memref<10240x144xf32, #tpu.memory_space<hbm>>) target(%arg9 : memref<80x144xf32, #tpu.memory_space<vmem>>) offsets(%dma_start3A_23 : memref<80xi32, #tpu.memory_space<vmem>>) semaphore(%arg11 : memref<!tpu.dma_semaphore, #tpu.memory_space<semaphore_mem>>)
      %dma_wait3A = arith.constant 0 : i32
      %dma_wait3A_27 = tpu.memref_slice %arg7[%scan3A_21, %dma_wait3A] : memref<128x80xi32, #tpu.memory_space<vmem>> -> memref<1x80xi32, #tpu.memory_space<vmem>>
      %dma_wait3A_28 = tpu.memref_squeeze %dma_wait3A_27 : memref<1x80xi32, #tpu.memory_space<vmem>> -> memref<80xi32, #tpu.memory_space<vmem>>
      %dma_wait3A_29 = arith.constant 0 : i32
      %dma_wait3A_30 = arith.constant 0 : i32
      %dma_wait3A_31 = tpu.memref_slice %arg2[%dma_wait3A_29, %dma_wait3A_30] : memref<10240x144xf32, #tpu.memory_space<hbm>> -> memref<10240x144xf32, #tpu.memory_space<hbm>>
      tpu.wait_indirect_dma semaphore(%arg11 : memref<!tpu.dma_semaphore, #tpu.memory_space<semaphore_mem>>) src(%dma_wait3A_31 : memref<10240x144xf32, #tpu.memory_space<hbm>>) dst(%arg9 : memref<80x144xf32, #tpu.memory_space<vmem>>)
      "tpu.region"() ({
        %run_scoped3A = tpu.sem_alloc : memref<!tpu.dma_semaphore, #tpu.memory_space<semaphore_mem>>
        %dma_start3A_32 = arith.constant 0 : i32
        %dma_start3A_33 = tpu.memref_slice %arg8[%scan3A_21, %dma_start3A_32] : memref<128x80xi32, #tpu.memory_space<vmem>> -> memref<1x80xi32, #tpu.memory_space<vmem>>
        %dma_start3A_34 = tpu.memref_squeeze %dma_start3A_33 : memref<1x80xi32, #tpu.memory_space<vmem>> -> memref<80xi32, #tpu.memory_space<vmem>>
        %dma_start3A_35 = arith.constant 0 : i32
        %dma_start3A_36 = arith.constant 0 : i32
        %dma_start3A_37 = tpu.memref_slice %arg10[%dma_start3A_35, %dma_start3A_36] : memref<10240x144xf32, #tpu.memory_space<vmem_shared>> -> memref<10240x144xf32, #tpu.memory_space<vmem_shared>>
        tpu.enqueue_indirect_dma source(%arg9 : memref<80x144xf32, #tpu.memory_space<vmem>>) target(%dma_start3A_37 : memref<10240x144xf32, #tpu.memory_space<vmem_shared>>) offsets(%dma_start3A_34 : memref<80xi32, #tpu.memory_space<vmem>>) semaphore(%run_scoped3A : memref<!tpu.dma_semaphore, #tpu.memory_space<semaphore_mem>>) {add = true}
        %dma_wait3A_38 = arith.constant 0 : i32
        %dma_wait3A_39 = tpu.memref_slice %arg8[%scan3A_21, %dma_wait3A_38] : memref<128x80xi32, #tpu.memory_space<vmem>> -> memref<1x80xi32, #tpu.memory_space<vmem>>
        %dma_wait3A_40 = tpu.memref_squeeze %dma_wait3A_39 : memref<1x80xi32, #tpu.memory_space<vmem>> -> memref<80xi32, #tpu.memory_space<vmem>>
        %dma_wait3A_41 = arith.constant 0 : i32
        %dma_wait3A_42 = arith.constant 0 : i32
        %dma_wait3A_43 = tpu.memref_slice %arg10[%dma_wait3A_41, %dma_wait3A_42] : memref<10240x144xf32, #tpu.memory_space<vmem_shared>> -> memref<10240x144xf32, #tpu.memory_space<vmem_shared>>
        tpu.wait_indirect_dma semaphore(%run_scoped3A : memref<!tpu.dma_semaphore, #tpu.memory_space<semaphore_mem>>) src(%arg9 : memref<80x144xf32, #tpu.memory_space<vmem>>) dst(%dma_wait3A_43 : memref<10240x144xf32, #tpu.memory_space<vmem_shared>>)
        tpu.yield
      }) : () -> ()
    }
    %scan3A_13 = arith.constant 128 : i32
    %barrier3A_14 = arith.constant 0 : index
    tpu.barrier barrier_id(%barrier3A_14)
    %scan3A_15 = arith.constant 0 : i32
    %scan3A_16 = arith.constant 0 : i32
    %scan3A_17 = arith.constant 8 : i32
    %scan3A_18 = arith.addi %scan3A_16, %scan3A_17 : i32
    %scan3A_19 = arith.constant 1 : i32
    scf.for %scan3A_21 = %scan3A_16 to %scan3A_18 step %scan3A_19  : i32 {
      %mul3A_22 = arith.constant 640 : i32
      %mul3A_23 = arith.muli %arg1, %mul3A_22 : i32
      %mul3A_24 = arith.constant 80 : i32
      %mul3A_25 = arith.muli %scan3A_21, %mul3A_24 : i32
      %add3A_26 = arith.addi %mul3A_23, %mul3A_25 : i32
      "tpu.region"() ({
        %run_scoped3A = tpu.sem_alloc : memref<!tpu.dma_semaphore, #tpu.memory_space<semaphore_mem>>
        %dma_start3A = arith.constant 0 : i32
        %dma_start3A_32 = tpu.memref_slice %arg10[%add3A_26, %dma_start3A] : memref<10240x144xf32, #tpu.memory_space<vmem_shared>> -> memref<80x144xf32, #tpu.memory_space<vmem_shared>>
        %dma_start3A_33 = arith.constant 0 : i32
        %dma_start3A_34 = tpu.memref_slice %arg10[%add3A_26, %dma_start3A_33] : memref<10240x144xf32, #tpu.memory_space<vmem_shared>> -> memref<80x144xf32, #tpu.memory_space<vmem_shared>>
        tpu.enqueue_dma source(%dma_start3A_34 : memref<80x144xf32, #tpu.memory_space<vmem_shared>>) target(%arg9 : memref<80x144xf32, #tpu.memory_space<vmem>>) target_semaphore(%run_scoped3A : memref<!tpu.dma_semaphore, #tpu.memory_space<semaphore_mem>>)
        %dma_wait3A = arith.constant 0 : i32
        %dma_wait3A_35 = tpu.memref_slice %arg10[%add3A_26, %dma_wait3A] : memref<10240x144xf32, #tpu.memory_space<vmem_shared>> -> memref<80x144xf32, #tpu.memory_space<vmem_shared>>
        %dma_wait3A_36 = arith.constant 0 : i32
        %dma_wait3A_37 = tpu.memref_slice %arg10[%add3A_26, %dma_wait3A_36] : memref<10240x144xf32, #tpu.memory_space<vmem_shared>> -> memref<80x144xf32, #tpu.memory_space<vmem_shared>>
        tpu.wait_dma2 semaphore(%run_scoped3A : memref<!tpu.dma_semaphore, #tpu.memory_space<semaphore_mem>>) src(%dma_wait3A_37 : memref<80x144xf32, #tpu.memory_space<vmem_shared>>) dst(%arg9 : memref<80x144xf32, #tpu.memory_space<vmem>>)
        tpu.yield
      }) : () -> ()
      %mul3A_27 = arith.constant 640 : i32
      %mul3A_28 = arith.muli %arg1, %mul3A_27 : i32
      %mul3A_29 = arith.constant 80 : i32
      %mul3A_30 = arith.muli %scan3A_21, %mul3A_29 : i32
      %add3A_31 = arith.addi %mul3A_28, %mul3A_30 : i32
      "tpu.region"() ({
        %run_scoped3A = tpu.sem_alloc : memref<!tpu.dma_semaphore, #tpu.memory_space<semaphore_mem>>
        %dma_start3A = arith.constant 0 : i32
        %dma_start3A_32 = tpu.memref_slice %arg6[%arg0, %add3A_31, %dma_start3A] : memref<2x10240x144xf32, #tpu.memory_space<hbm>> -> memref<1x80x144xf32, #tpu.memory_space<hbm>>
        %dma_start3A_33 = tpu.memref_squeeze %dma_start3A_32 : memref<1x80x144xf32, #tpu.memory_space<hbm>> -> memref<80x144xf32, #tpu.memory_space<hbm>>
        %dma_start3A_34 = arith.constant 0 : i32
        %dma_start3A_35 = tpu.memref_slice %arg6[%arg0, %add3A_31, %dma_start3A_34] : memref<2x10240x144xf32, #tpu.memory_space<hbm>> -> memref<1x80x144xf32, #tpu.memory_space<hbm>>
        %dma_start3A_36 = tpu.memref_squeeze %dma_start3A_35 : memref<1x80x144xf32, #tpu.memory_space<hbm>> -> memref<80x144xf32, #tpu.memory_space<hbm>>
        tpu.enqueue_dma source(%arg9 : memref<80x144xf32, #tpu.memory_space<vmem>>) target(%dma_start3A_36 : memref<80x144xf32, #tpu.memory_space<hbm>>) target_semaphore(%run_scoped3A : memref<!tpu.dma_semaphore, #tpu.memory_space<semaphore_mem>>)
        %dma_wait3A = arith.constant 0 : i32
        %dma_wait3A_37 = tpu.memref_slice %arg6[%arg0, %add3A_31, %dma_wait3A] : memref<2x10240x144xf32, #tpu.memory_space<hbm>> -> memref<1x80x144xf32, #tpu.memory_space<hbm>>
        %dma_wait3A_38 = tpu.memref_squeeze %dma_wait3A_37 : memref<1x80x144xf32, #tpu.memory_space<hbm>> -> memref<80x144xf32, #tpu.memory_space<hbm>>
        %dma_wait3A_39 = arith.constant 0 : i32
        %dma_wait3A_40 = tpu.memref_slice %arg6[%arg0, %add3A_31, %dma_wait3A_39] : memref<2x10240x144xf32, #tpu.memory_space<hbm>> -> memref<1x80x144xf32, #tpu.memory_space<hbm>>
        %dma_wait3A_41 = tpu.memref_squeeze %dma_wait3A_40 : memref<1x80x144xf32, #tpu.memory_space<hbm>> -> memref<80x144xf32, #tpu.memory_space<hbm>>
        tpu.wait_dma2 semaphore(%run_scoped3A : memref<!tpu.dma_semaphore, #tpu.memory_space<semaphore_mem>>) src(%arg9 : memref<80x144xf32, #tpu.memory_space<vmem>>) dst(%dma_wait3A_41 : memref<80x144xf32, #tpu.memory_space<hbm>>)
        tpu.yield
      }) : () -> ()
    }
    %scan3A_20 = arith.constant 8 : i32
    return
  }
}

module attributes {stable_mosaic.version = 14 : i64} {
  func.func @body(%arg0: i32, %arg1: memref<1280x128xf32, #tpu.memory_space<vmem>>, %arg2: memref<128x128xf32, #tpu.memory_space<vmem>>, %arg3: memref<1x128xf32, #tpu.memory_space<vmem>>, %arg4: memref<1280x128xf32, #tpu.memory_space<vmem>>) attributes {dimension_semantics = [#tpu.dimension_semantics<arbitrary>], iteration_bounds = array<i64: 8>, scalar_prefetch = 0 : i64, scratch_operands = 0 : i64, tpu.core_type = #tpu.core_type<tc>, window_params = [{transform_indices = @transform_0, window_bounds = array<i64: 1280, 128>}, {pipeline_mode = #tpu.pipeline_mode<synchronous>, transform_indices = @transform_1, window_bounds = array<i64: 128, 128>}, {pipeline_mode = #tpu.pipeline_mode<synchronous>, transform_indices = @transform_2, window_bounds = array<i64: 1, 128>}, {transform_indices = @transform_3, window_bounds = array<i64: 1280, 128>}]} {
    %get3A = arith.constant 0 : index
    %get3A_0 = arith.constant 0 : index
    %get3A_1 = vector.load %arg1[%get3A, %get3A_0] : memref<1280x128xf32, #tpu.memory_space<vmem>>, vector<1280x128xf32>
    %get3A_2 = arith.constant 0 : index
    %get3A_3 = arith.constant 0 : index
    %get3A_4 = vector.load %arg2[%get3A_2, %get3A_3] : memref<128x128xf32, #tpu.memory_space<vmem>>, vector<128x128xf32>
    %dot_general3A = arith.constant dense<0.000000e+00> : vector<1280x128xf32>
    %dot_general3A_5 = tpu.matmul %get3A_1, %get3A_4, %dot_general3A {dimension_numbers = #tpu.dot_dimension_numbers<[1], [1], [0], [0], [0, 0, 1, 0], [], []>, transpose_lhs_hint = false} : vector<1280x128xf32>, vector<128x128xf32>, vector<1280x128xf32> -> vector<1280x128xf32>
    %get3A_6 = arith.constant 0 : index
    %get3A_7 = arith.constant 0 : index
    %get3A_8 = vector.load %arg3[%get3A_6, %get3A_7] : memref<1x128xf32, #tpu.memory_space<vmem>>, vector<1x128xf32>
    %add3A = vector.broadcast %get3A_8 : vector<1x128xf32> to vector<1280x128xf32>
    %add3A_9 = arith.addf %dot_general3A_5, %add3A : vector<1280x128xf32>
    %swap3A = arith.constant 0 : index
    %swap3A_10 = arith.constant 0 : index
    %swap3A_11 = vector.load %arg4[%swap3A, %swap3A_10] : memref<1280x128xf32, #tpu.memory_space<vmem>>, vector<1280x128xf32>
    tpu.vector_store %arg4[%swap3A, %swap3A_10], %add3A_9 {strides = array<i32>} : memref<1280x128xf32, #tpu.memory_space<vmem>>, vector<1280x128xf32>,
    return
  }
  func.func @transform_0(%arg0: i32) -> (i32, i32) {
    %c0_i32 = arith.constant 0 : i32
    %c0_i32_0 = arith.constant 0 : i32
    return %arg0, %c0_i32 : i32, i32
  }
  func.func @transform_1(%arg0: i32) -> (i32, i32) {
    %c0_i32 = arith.constant 0 : i32
    %c0_i32_0 = arith.constant 0 : i32
    %c0_i32_1 = arith.constant 0 : i32
    return %c0_i32, %c0_i32_0 : i32, i32
  }
  func.func @transform_2(%arg0: i32) -> (i32, i32) {
    %c0_i32 = arith.constant 0 : i32
    %c0_i32_0 = arith.constant 0 : i32
    %c0_i32_1 = arith.constant 0 : i32
    return %c0_i32, %c0_i32_0 : i32, i32
  }
  func.func @transform_3(%arg0: i32) -> (i32, i32) {
    %c0_i32 = arith.constant 0 : i32
    %c0_i32_0 = arith.constant 0 : i32
    return %arg0, %c0_i32 : i32, i32
  }
}

module attributes {stable_mosaic.version = 14 : i64} {
  func.func @body(%arg0: i32, %arg1: memref<2x1280x144xf32, #tpu.memory_space<vmem>>, %arg2: memref<128x128xf32, #tpu.memory_space<vmem>>, %arg3: memref<1x128xf32, #tpu.memory_space<vmem>>, %arg4: memref<1280x128xf32, #tpu.memory_space<vmem>>) attributes {dimension_semantics = [#tpu.dimension_semantics<arbitrary>], iteration_bounds = array<i64: 8>, scalar_prefetch = 0 : i64, scratch_operands = 0 : i64, tpu.core_type = #tpu.core_type<tc>, window_params = [{transform_indices = @transform_0, window_bounds = array<i64: 2, 1280, 144>}, {pipeline_mode = #tpu.pipeline_mode<synchronous>, transform_indices = @transform_1, window_bounds = array<i64: 128, 128>}, {pipeline_mode = #tpu.pipeline_mode<synchronous>, transform_indices = @transform_2, window_bounds = array<i64: 1, 128>}, {transform_indices = @transform_3, window_bounds = array<i64: 1280, 128>}]} {
    %get3A = arith.constant 0 : index
    %get3A_0 = arith.constant 0 : index
    %get3A_1 = arith.constant 0 : index
    %get3A_2 = vector.load %arg1[%get3A, %get3A_0, %get3A_1] : memref<2x1280x144xf32, #tpu.memory_space<vmem>>, vector<1x1280x144xf32>
    %get3A_3 = vector.shape_cast %get3A_2 : vector<1x1280x144xf32> to vector<1280x144xf32>
    %get3A_4 = arith.constant 1 : index
    %get3A_5 = arith.constant 0 : index
    %get3A_6 = arith.constant 0 : index
    %get3A_7 = vector.load %arg1[%get3A_4, %get3A_5, %get3A_6] : memref<2x1280x144xf32, #tpu.memory_space<vmem>>, vector<1x1280x144xf32>
    %get3A_8 = vector.shape_cast %get3A_7 : vector<1x1280x144xf32> to vector<1280x144xf32>
    %add3A = arith.addf %get3A_3, %get3A_8 : vector<1280x144xf32>
    %slice3A = vector.extract_strided_slice %add3A {offsets = [0, 128], sizes = [1280, 1], strides = [1, 1]} : vector<1280x144xf32> to vector<1280x1xf32>
    %max3A = arith.constant 1.000000e+00 : f32
    %max3A_9 = vector.broadcast %max3A : f32 to vector<1280x1xf32>
    %max3A_10 = arith.maximumf %slice3A, %max3A_9 : vector<1280x1xf32>
    %slice3A_11 = vector.extract_strided_slice %add3A {offsets = [0, 0], sizes = [1280, 128], strides = [1, 1]} : vector<1280x144xf32> to vector<1280x128xf32>
    %max3A_12 = arith.constant 0.000000e+00 : f32
    %max3A_13 = vector.broadcast %max3A_12 : f32 to vector<1280x128xf32>
    %max3A_14 = arith.maximumf %slice3A_11, %max3A_13 : vector<1280x128xf32>
    %div3A = vector.broadcast %max3A_10 : vector<1280x1xf32> to vector<1280x128xf32>
    %div3A_15 = arith.divf %max3A_14, %div3A : vector<1280x128xf32>
    %get3A_16 = arith.constant 0 : index
    %get3A_17 = arith.constant 0 : index
    %get3A_18 = vector.load %arg2[%get3A_16, %get3A_17] : memref<128x128xf32, #tpu.memory_space<vmem>>, vector<128x128xf32>
    %dot_general3A = arith.constant dense<0.000000e+00> : vector<1280x128xf32>
    %dot_general3A_19 = tpu.matmul %div3A_15, %get3A_18, %dot_general3A {dimension_numbers = #tpu.dot_dimension_numbers<[1], [1], [0], [0], [0, 0, 1, 0], [], []>, transpose_lhs_hint = false} : vector<1280x128xf32>, vector<128x128xf32>, vector<1280x128xf32> -> vector<1280x128xf32>
    %get3A_20 = arith.constant 0 : index
    %get3A_21 = arith.constant 0 : index
    %get3A_22 = vector.load %arg3[%get3A_20, %get3A_21] : memref<1x128xf32, #tpu.memory_space<vmem>>, vector<1x128xf32>
    %add3A_23 = vector.broadcast %get3A_22 : vector<1x128xf32> to vector<1280x128xf32>
    %add3A_24 = arith.addf %dot_general3A_19, %add3A_23 : vector<1280x128xf32>
    %swap3A = arith.constant 0 : index
    %swap3A_25 = arith.constant 0 : index
    %swap3A_26 = vector.load %arg4[%swap3A, %swap3A_25] : memref<1280x128xf32, #tpu.memory_space<vmem>>, vector<1280x128xf32>
    tpu.vector_store %arg4[%swap3A, %swap3A_25], %add3A_24 {strides = array<i32>} : memref<1280x128xf32, #tpu.memory_space<vmem>>, vector<1280x128xf32>,
    return
  }
  func.func @transform_0(%arg0: i32) -> (i32, i32, i32) {
    %c0_i32 = arith.constant 0 : i32
    %c0_i32_0 = arith.constant 0 : i32
    %c0_i32_1 = arith.constant 0 : i32
    return %c0_i32, %arg0, %c0_i32_0 : i32, i32, i32
  }
  func.func @transform_1(%arg0: i32) -> (i32, i32) {
    %c0_i32 = arith.constant 0 : i32
    %c0_i32_0 = arith.constant 0 : i32
    %c0_i32_1 = arith.constant 0 : i32
    return %c0_i32, %c0_i32_0 : i32, i32
  }
  func.func @transform_2(%arg0: i32) -> (i32, i32) {
    %c0_i32 = arith.constant 0 : i32
    %c0_i32_0 = arith.constant 0 : i32
    %c0_i32_1 = arith.constant 0 : i32
    return %c0_i32, %c0_i32_0 : i32, i32
  }
  func.func @transform_3(%arg0: i32) -> (i32, i32) {
    %c0_i32 = arith.constant 0 : i32
    %c0_i32_0 = arith.constant 0 : i32
    return %arg0, %c0_i32 : i32, i32
  }
}

module attributes {stable_mosaic.version = 14 : i64} {
  func.func @body(%arg0: i32, %arg1: memref<2x2000x144xf32, #tpu.memory_space<vmem>>, %arg2: memref<2000x128xf32, #tpu.memory_space<vmem>>) attributes {dimension_semantics = [#tpu.dimension_semantics<arbitrary>], iteration_bounds = array<i64: 5>, scalar_prefetch = 0 : i64, scratch_operands = 0 : i64, tpu.core_type = #tpu.core_type<tc>, window_params = [{transform_indices = @transform_0, window_bounds = array<i64: 2, 2000, 144>}, {transform_indices = @transform_1, window_bounds = array<i64: 2000, 128>}]} {
    %get3A = arith.constant 0 : index
    %get3A_0 = arith.constant 0 : index
    %get3A_1 = arith.constant 0 : index
    %get3A_2 = vector.load %arg1[%get3A, %get3A_0, %get3A_1] : memref<2x2000x144xf32, #tpu.memory_space<vmem>>, vector<1x2000x144xf32>
    %get3A_3 = vector.shape_cast %get3A_2 : vector<1x2000x144xf32> to vector<2000x144xf32>
    %get3A_4 = arith.constant 1 : index
    %get3A_5 = arith.constant 0 : index
    %get3A_6 = arith.constant 0 : index
    %get3A_7 = vector.load %arg1[%get3A_4, %get3A_5, %get3A_6] : memref<2x2000x144xf32, #tpu.memory_space<vmem>>, vector<1x2000x144xf32>
    %get3A_8 = vector.shape_cast %get3A_7 : vector<1x2000x144xf32> to vector<2000x144xf32>
    %add3A = arith.addf %get3A_3, %get3A_8 : vector<2000x144xf32>
    %slice3A = vector.extract_strided_slice %add3A {offsets = [0, 128], sizes = [2000, 1], strides = [1, 1]} : vector<2000x144xf32> to vector<2000x1xf32>
    %max3A = arith.constant 1.000000e+00 : f32
    %max3A_9 = vector.broadcast %max3A : f32 to vector<2000x1xf32>
    %max3A_10 = arith.maximumf %slice3A, %max3A_9 : vector<2000x1xf32>
    %slice3A_11 = vector.extract_strided_slice %add3A {offsets = [0, 0], sizes = [2000, 128], strides = [1, 1]} : vector<2000x144xf32> to vector<2000x128xf32>
    %max3A_12 = arith.constant 0.000000e+00 : f32
    %max3A_13 = vector.broadcast %max3A_12 : f32 to vector<2000x128xf32>
    %max3A_14 = arith.maximumf %slice3A_11, %max3A_13 : vector<2000x128xf32>
    %div3A = vector.broadcast %max3A_10 : vector<2000x1xf32> to vector<2000x128xf32>
    %div3A_15 = arith.divf %max3A_14, %div3A : vector<2000x128xf32>
    %swap3A = arith.constant 0 : index
    %swap3A_16 = arith.constant 0 : index
    %swap3A_17 = vector.load %arg2[%swap3A, %swap3A_16] : memref<2000x128xf32, #tpu.memory_space<vmem>>, vector<2000x128xf32>
    tpu.vector_store %arg2[%swap3A, %swap3A_16], %div3A_15 {strides = array<i32>} : memref<2000x128xf32, #tpu.memory_space<vmem>>, vector<2000x128xf32>,
    return
  }
  func.func @transform_0(%arg0: i32) -> (i32, i32, i32) {
    %c0_i32 = arith.constant 0 : i32
    %c0_i32_0 = arith.constant 0 : i32
    %c0_i32_1 = arith.constant 0 : i32
    return %c0_i32, %arg0, %c0_i32_0 : i32, i32, i32
  }
  func.func @transform_1(%arg0: i32) -> (i32, i32) {
    %c0_i32 = arith.constant 0 : i32
    %c0_i32_0 = arith.constant 0 : i32
    return %arg0, %c0_i32 : i32, i32
  }
}

</mosaic_0001>

<sc_bundles>
// kernel: kernel.10.cloned.1.call-start
scs
__scs_entry_jumppad:
0x0: {  	(pc) =	sbr.rel $0x88, $3  }
0x1: {  	(tag) =	ssettag $0x0;
	lr =	simm.s32 $0x1  }
0x2: {  	[smem:$0x3F9B] =	sst lr;
	_ =	strace $0xD0000000  }
0x3: {  	_ = 	snop  }
0x4: {  	_ = 	snop  }
0x5: {  	_ = 	snop  }
0x6: {  	_ = 	snop  }
0x7: {  	_ = 	snop  }
__scs_overlays_trampoline_lowered:
0x8: {  	[smem:$0x3FAA] =	sst s0  }
0x9: {  	[smem:$0x3FAB] =	sst s1  }
0xa: {  	[smem:$0x3FAC] =	sst s2  }
0xb: {  	[smem:$0x3FAD] =	sst s3  }
0xc: {  	[smem:$0x3FAE] =	sst s4  }
0xd: {  	[smem:$0x3FAF] =	sst s5  }
0xe: {  	[smem:$0x3FB0] =	sst s6  }
0xf: {  	[smem:$0x3FB1] =	sst s7  }
0x10: {  	[smem:$0x3FB2] =	sst s8  }
0x11: {  	[smem:$0x3FB3] =	sst s9;
	s0 =	simm.s32 @!p0 $0x0  }
0x12: {  	s1 =	sld [smem:$0x3F99];
	s0 =	simm.s32 @p0 $0x1  }
0x13: {  	[smem:$0x3FB4] =	sst s0;
	s0 =	simm.s32 @!p1 $0x0  }
0x14: {  	s2 =	sld [smem:$0x3F98];
	s0 =	simm.s32 @p1 $0x1  }
0x15: {  	[smem:$0x3FB5] =	sst s0;
	s0 =	simm.s32 @!p2 $0x0  }
0x16: {  	s3 =	sld [smem:$0x3FDB];
	s0 =	simm.s32 @p2 $0x1  }
0x17: {  	s4 =	simm.s32 $0x1BF5;
	[smem:$0x3FB7] =	sst s0  }
0x18: {  	s0 =	sld [smem:$0x3F9A];
	_ =	swait.ge [sflag:s4], $0x0  }
0x19: {  	s7 =	sld [smem:$0x3F9B]  }
0x1a: {  	s8 =	sadd.s32 $0xFFFFE003, lr  }
0x1b: {  	s9 =	sadd.s32 $0xFFFFFEF7, lr;
	s5 =	simm.s32 $0xFFFFFFFF;
	p2 =	slt.u32 s8, $0xFFFFF086  }
0x1c: {  	p1 =	slt.u32 s9, $0xF7A;
	s5 =	simm.s32 @!p2 $0x0  }
0x1d: {  	s5 =	simm.s32 @p1 $0x1;
	p0 =	seq.s32 s7, s2  }
0x1e: {  	s7 =	smul.u32 @!p0 $0xF7A, s2;
	p2 =	seq.s32 @!p0 s5, $0x0  }
0x1f: {  	s9 =	smul.u32 $0xF7A, s1;
	s8 =	simm.s32 @!p0 $0x1BF5;
	p2 =	por !p2, p0  }
0x20: {  	[sflag:s8] =	ssyncset.s32 @!p0 $0xFFFFF086;
	s6 =	sadd.s32 @!p0 s3, s7;
	s7 =	simm.s32 @!p0 $0x108  }
0x21: {  	s3 =	sadd.s32 s3, s9;
	s6 =	sadd.s32 @!p0 $0x88, s6;
	s7 =	simm.s32 @p2 $0x1082  }
0x22: {  	[simem:s7], [sflag:s8] =	dma.local @!p0 [hbm:s6], $0xF7A  }
0x23: {  	s9 =	sor.u32 $0xD0000000, s2;
	s6 =	simm.s32 $0x108;
	_ =	swait.ge @!p0 [sflag:s8], $0x0  }
0x24: {  	s3 =	sadd.s32 $0x88, s3;
	s6 =	simm.s32 @!p1 $0x1082;
	[sflag:s4] =	ssyncset.s32 $0xFFFFF086  }
0x25: {  	[simem:s6], [sflag:s4] =	dma.local [hbm:s3], $0xF7A  }
0x26: {  	[smem:$0x3F9B] =	sst s1;
	(tag) =	ssettag s2;
	_ =	strace s9  }
0x27: {  	s1 =	sld [smem:$0x3FAB]  }
0x28: {  	s2 =	sld [smem:$0x3FAC]  }
0x29: {  	s4 =	sld [smem:$0x3FAE]  }
0x2a: {  	p0 =	seq.s32 s5, $0x0;
	s5 =	sld [smem:$0x3FAF]  }
0x2b: {  	s6 =	sld [smem:$0x3FB0]  }
0x2c: {  	s7 =	sld [smem:$0x3FB1]  }
0x2d: {  	s3 =	simm.s32 $0x108;
	s8 =	sld [smem:$0x3FB2]  }
0x2e: {  	s3 =	simm.s32 @!p0 $0x1082;
	s9 =	sld [smem:$0x3FB3]  }
0x2f: {  	lr =	sadd.s32 s0, s3;
	s0 =	sld [smem:$0x3FAA]  }
0x30: {  	s3 =	sld [smem:$0x3FAD]  }
0x31: {  	[smem:$0x3FB6] =	sst s10  }
0x32: {  	s10 =	sld [smem:$0x3FB4];
	_ =	sdelay $0x3  }
0x33: {  	p0 =	seq.s32 s10, $0x1;
	s10 =	sld [smem:$0x3FB6];
	_ =	sdelay $0x3  }
0x34: {  	[smem:$0x3FB6] =	sst s10  }
0x35: {  	s10 =	sld [smem:$0x3FB5];
	_ =	sdelay $0x3  }
0x36: {  	p1 =	seq.s32 s10, $0x1;
	s10 =	sld [smem:$0x3FB6];
	_ =	sdelay $0x3  }
0x37: {  	[smem:$0x3FB6] =	sst s10  }
0x38: {  	s10 =	sld [smem:$0x3FB7]  }
0x39: {  	_ = 	snop;
	(pc) =	sbr.ind lr, $3  }
0x3a: {  	_ = 	snop  }
0x3b: {  	_ = 	snop  }
0x3c: {  	p2 =	seq.s32 s10, $0x1;
	s10 =	sld [smem:$0x3FB6]  }
0x3d: {  	_ =	shalt  }
0x3e: {  	_ =	shalt  }
0x3f: {  	_ =	shalt  }
0x40: {  	_ =	shalt  }
0x41: {  	_ =	shalt  }
0x42: {  	_ =	shalt  }
0x43: {  	_ =	shalt  }
0x44: {  	_ =	shalt  }
0x45: {  	_ =	shalt  }
0x46: {  	_ =	shalt  }
0x47: {  	_ =	shalt  }
0x48: {  	_ =	shalt  }
0x49: {  	_ =	shalt  }
0x4a: {  	_ =	shalt  }
0x4b: {  	_ =	shalt  }
0x4c: {  	_ =	shalt  }
0x4d: {  	_ =	shalt  }
0x4e: {  	_ =	shalt  }
0x4f: {  	_ =	shalt  }
0x50: {  	_ =	shalt  }
0x51: {  	_ =	shalt  }
0x52: {  	_ =	shalt  }
0x53: {  	_ =	shalt  }
0x54: {  	_ =	shalt  }
0x55: {  	_ =	shalt  }
0x56: {  	_ =	shalt  }
0x57: {  	_ =	shalt  }
0x58: {  	_ =	shalt  }
0x59: {  	_ =	shalt  }
0x5a: {  	_ =	shalt  }
0x5b: {  	_ =	shalt  }
0x5c: {  	_ =	shalt  }
0x5d: {  	_ =	shalt  }
0x5e: {  	_ =	shalt  }
0x5f: {  	_ =	shalt  }
0x60: {  	_ =	shalt  }
0x61: {  	_ =	shalt  }
0x62: {  	_ =	shalt  }
0x63: {  	_ =	shalt  }
0x64: {  	_ =	shalt  }
0x65: {  	_ =	shalt  }
0x66: {  	_ =	shalt  }
0x67: {  	_ =	shalt  }
0x68: {  	_ =	shalt  }
0x69: {  	_ =	shalt  }
0x6a: {  	_ =	shalt  }
0x6b: {  	_ =	shalt  }
0x6c: {  	_ =	shalt  }
0x6d: {  	_ =	shalt  }
0x6e: {  	_ =	shalt  }
0x6f: {  	_ =	shalt  }
0x70: {  	_ =	shalt  }
0x71: {  	_ =	shalt  }
0x72: {  	_ =	shalt  }
0x73: {  	_ =	shalt  }
0x74: {  	_ =	shalt  }
0x75: {  	_ =	shalt  }
0x76: {  	_ =	shalt  }
0x77: {  	_ =	shalt  }
0x78: {  	_ =	shalt  }
0x79: {  	_ =	shalt  }
0x7a: {  	_ =	shalt  }
0x7b: {  	_ =	shalt  }
0x7c: {  	_ =	shalt  }
0x7d: {  	_ =	shalt  }
0x7e: {  	_ =	shalt  }
0x7f: {  	_ =	shalt  }
0x80: {  	_ =	shalt  }
0x81: {  	_ =	shalt  }
0x82: {  	_ =	shalt  }
0x83: {  	_ =	shalt  }
0x84: {  	_ =	shalt  }
0x85: {  	_ =	shalt  }
0x86: {  	_ =	shalt  }
0x87: {  	_ =	shalt  }
.Lfunc_end0:
.L_simem_size_0:
called_computation.1_lowered:
.L_overlay_start_0:
0x88: {  	s2 =	sld [smem:$0x3FD9]  }
0x89: {  	s3 =	sld [smem:$0x3FFE];
	_ =	sdelay $0x1  }
0x8a: {  	s1 =	srdreg.scid  }
0x8b: {  	s0 =	sand.u32 $0x1, s1  }
0x8c: {  	s17 =	sshll.u32 s0, $0xA;
	s2 =	sadd.s32 s3, s2  }
0x8d: {  	s2 =	sadd.s32 s2, s17  }
0x8e: {  	[smem:$0x3FC2] =	sst s2  }
0x8f: {  	_ = 	snop  }
0x90: {  	s2 =	sld [smem:$0x3FD0];
	(tm) =	ssettm $0x1  }
0x91: {  	s18 =	sld [smem:$0x3FFB];
	_ =	sdelay $0x3  }
0x92: {  	_ =	strace s18  }
0x93: {  	s3 =	sld [smem:$0x3FFC];
	_ =	sdelay $0x3  }
0x94: {  	_ =	strace s3  }
0x95: {  	s3 =	sld [smem:$0x3FFD];
	_ =	sdelay $0x3  }
0x96: {  	_ =	strace s3  }
0x97: {  	_ =	strace $0x8FFFFFFF  }
0x98: {  	s19 =	sld [smem:$0x3FDB];
	_ =	sdelay $0x1  }
0x99: {  	s4 =	simm.s32 $_scs_section_size  }
0x9a: {  	s5 =	simm.s32 $_size__tile_overlayer_lowered;
	s6 =	simm.s32 $_tile_overlayer_lowered  }
0x9b: {  	s22 =	simm.s32 $0x1BFF;
	s21 =	sshll.u32 s6, $0x1;
	s3 =	sadd.s32 s4, s19  }
0x9c: {  	s7 =	simm.s32 $0x0;
	s20 =	sshll.u32 s5, $0x1;
	s5 =	sadd.s32 s21, s3  }
0x9d: {  	[timem:s7], [sflag:s22] =	dma.local [hbm:s5], s20  }
0x9e: {  	_ =	swait.ge [sflag:s22], s20  }
0x9f: {  	s4 =	ssub.s32 $0x0, s20;
	[sflag:s22] =	ssyncset.done $0x0  }
0xa0: {  	[sflag:s22] =	ssyncadd.s32 s4;
	_ =	sdelay $0x1  }
0xa1: {  	s23 =	simm.s32 $0x1B8B  }
0xa2: {  	_ =	swait.ge [sflag:s23], $0x1  }
0xa3: {  	[sflag:s23] =	ssyncset.done $0x0  }
0xa4: {  	s25 =	simm.s32 $0x1B8E;
	s24 =	sld [smem:$0x3FFE];
	[sflag:s23] =	ssyncadd.s32 $0xFFFFFFFF  }
0xa5: {  	s26 =	simm.s32 $execute0_lowered;
	[smem:$0x3FD2] =	sst s25  }
0xa6: {  	s5 =	sshll.u32 s26, $0x1;
	_ =	strace $0x80000049;
	[dreg:$0x1] =	wrdreg $0xFFFFFFFF  }
0xa7: {  	s28 =	simm.s32 $_size_execute0_lowered;
	s3 =	sadd.s32 s3, s5;
	[dreg:$0x0] =	wrdreg $0x0  }
0xa8: {  	s5 =	sshll.u32 s28, $0x1;
	[dreg:$0x2] =	wrdreg s3  }
0xa9: {  	[dreg:$0x3] =	wrdreg s5  }
0xaa: {  	[dreg:$0x4] =	wrdreg $0xC0  }
0xab: {  	_ =	task [dreg:s7], $0x5FFFF  }
0xac: {  	[dreg:$0x1] =	wrdreg $0xFFFFFFFF  }
0xad: {  	[dreg:$0x0] =	wrdreg $0x60  }
0xae: {  	[dreg:$0x2] =	wrdreg s24  }
0xaf: {  	[dreg:$0x3] =	wrdreg s2  }
0xb0: {  	[dreg:$0x4] =	wrdreg $0x7D000  }
0xb1: {  	[dreg:$0x5] =	wrdreg $0x9  }
0xb2: {  	_ =	task.clear_ibuf [dreg:s7], $0x6FFFF;
	_ =	strace $0x90000049  }
0xb3: {  	s29 =	simm.s32 $0x9;
	_ =	strace $0x8000004B  }
0xb4: {  	_ =	swait.ge [sflag:s29], $0x1  }
0xb5: {  	[sflag:s29] =	ssyncadd.s32 $0xFFFFFFFF  }
0xb6: {  	_ =	strace $0x9000004B  }
0xb7: {  	_ =	sfence  }
0xb8: {  	s30 =	sld [smem:$0x0];
	_ =	sdelay $0x2  }
0xb9: {  	s31 =	sshll.u32 s1, $0xD;
	s1 =	sshrl.u32 s1, $0x2  }
0xba: {  	s3 =	sand.u32 $0x4000, s31;
	s1 =	sadd.s32 s1, s30  }
0xbb: {  	s0 =	sor.u32 s3, s0;
	s1 =	sshll.u32 s1, $0x11  }
0xbc: {  	s0 =	sor.u32 s1, s0  }
0xbd: {  	s0 =	sadd.s32 $0x8F2B, s0  }
0xbe: {  	[sflag:s0] =	ssyncadd.remote.s32 $0x1  }
0xbf: {  	_ =	sfence.sel $0xFFFF  }
0xc0: {  	[dreg:$0x0] =	wrdreg $0xFFFFFFFF;
	(pc) =	sbr.abs _section_cstart, $3  }
0xc1: {  	[dreg:$0x1] =	wrdreg $0xFFFFFFFF  }
0xc2: {  	_ =	task.clear_ibuf [dreg:s7], $0x2FFFF;
	_ =	strace $0x9FFFFFFF  }
0xc3: {  	(tm) =	ssettm $0x7FFFFFFF  }
tec
execute0_lowered:
.L_overlay_start_1:
0x0: {  	(tag) =	ssettag $0x1  }
0x1: {  	s0 =	srdreg.scid  }
0x2: {  	s15 =	stileid.u32;
	s4 =	rddreg [dreg:$0x0]  }
0x3: {  	s14 =	rddreg [dreg:$0x1];
	s0 =	sand.u32 $0x1, s0;
	s25 =	smul.u32 $0x280, s15  }
0x4: {  	s1 =	sshll.u32 s15, $0x8;
	s7 =	smul.u32 $0x16800, s15;
	s10 =	sadd.s32 $0x38000, s4  }
0x5: {  	s2 =	sshll.u32 s0, $0x7;
	s6 =	smul.u32 $0x168000, s0;
	s9 =	ssub.s32 $0x2, s0  }
0x6: {  	s1 =	sor.u32 s2, s1;
	s2 =	rddreg [dreg:$0x2];
	s8 =	sor.u32 $0x50, s25  }
0x7: {  	s11 =	sshrl.u32 s9, $0x1;
	s17 =	sadd.s32 $0xA0, s25;
	s3 =	smul.u32 $0xA, s1  }
0x8: {  	s29 =	sadd.s32 $0x8700, s7;
	s30 =	sadd.s32 $0xB400, s7;
	s26 =	smul.u32 $0x90, s8  }
0x9: {  	s31 =	sadd.s32 $0xE100, s7;
	s12 =	sadd.s32 s6, s7;
	s1 =	smul.u32 $0x90, s17  }
0xa: {  	s18 =	ssub.s32 s9, s11;
	s19 =	sadd.s32 s6, s29;
	s20 =	sadd.s32 s6, s30  }
0xb: {  	s23 =	sadd.s32 s6, s31;
	s29 =	sadd.s32 s29, s2;
	s30 =	sadd.s32 s30, s2  }
0xc: {  	s31 =	sadd.s32 s31, s2;
	s0 =	sshrl.u32 s12, $0x3;
	s11 =	sshrl.u32 s20, $0x3  }
0xd: {  	s13 =	sadd.s32 s6, s26;
	s9 =	sadd.s32 s10, s0;
	s22 =	sadd.s32 s10, s11  }
0xe: {  	s0 =	sadd.s32 $0x13B00, s7;
	s26 =	sadd.s32 s26, s2;
	s28 =	sadd.s32 s1, s2  }
0xf: {  	s5 =	sshrl.u32 s13, $0x3;
	[dreg:$0x4] =	wrdreg s9;
	s13 =	sadd.s32 s6, s1  }
0x10: {  	[dreg:$0x8] =	wrdreg s22;
	s12 =	sadd.s32 s10, s5;
	s9 =	sshrl.u32 s13, $0x3  }
0x11: {  	s5 =	sadd.s32 $0x10E00, s7;
	s13 =	sadd.s32 $0xAA00, s4;
	[dreg:$0x5] =	wrdreg s12  }
0x12: {  	s16 =	sadd.s32 s10, s9;
	s9 =	sshrl.u32 s19, $0x3;
	s24 =	sadd.s32 s6, s5  }
0x13: {  	s6 =	sadd.s32 s6, s0;
	s12 =	smul.u32 $0x5A000, s15;
	s1 =	sadd.s32 s5, s2  }
0x14: {  	s0 =	sadd.s32 s0, s2;
	s5 =	simm.s32 $0x50;
	[dreg:$0x6] =	wrdreg s16  }
0x15: {  	s21 =	sadd.s32 s10, s9;
	s9 =	sshrl.u32 s23, $0x3;
	s25 =	sshrl.u32 s24, $0x3  }
0x16: {  	s6 =	sshrl.u32 s6, $0x3;
	s16 =	sadd.s32 s7, s2;
	[dreg:$0x7] =	wrdreg s21  }
0x17: {  	s9 =	sadd.s32 s10, s9;
	s11 =	sadd.s32 s10, s25;
	s6 =	sadd.s32 s10, s6  }
0x18: {  	s10 =	sadd.s32 s14, s3;
	s3 =	sadd.s32 s3, s4;
	s14 =	sadd.s32 $0x37A00, s4  }
0x19: {  	s21 =	smul.u32 $0x240, s17;
	s22 =	sshrl.u32 s12, $0x2;
	[dreg:$0x9] =	wrdreg s9  }
0x1a: {  	s17 =	smax.u32 s18, $0x1;
	s24 =	sadd.s32 $0x21C00, s12;
	[dreg:$0xa] =	wrdreg s11  }
0x1b: {  	s25 =	sadd.s32 $0x2D000, s12;
	s9 =	simm.s32 $0x0;
	[dreg:$0xb] =	wrdreg s6  }
0x1c: {  	s11 =	smul.u32 $0x240, s8;
	s15 =	sadd.s32 $0xA00, s3;
	s18 =	sadd.s32 s22, s2  }
0x1d: {  	s4 =	sshrl.u32 s24, $0x2;
	s7 =	sshrl.u32 s25, $0x2;
	s6 =	simm.s32 $0x1  }
0x1e: {  	[smem:$0x7FF] =	sst s9;
	s23 =	sshrl.u32 s21, $0x2;
	s21 =	sadd.s32 s4, s2  }
0x1f: {  	s22 =	sadd.s32 s7, s2;
	s4 =	simm.s32 $0x5000;
	s7 =	simm.s32 $0x0  }
0x20: {  	_ =	strace $0x8000004A;
	[dreg:$0xc] =	wrdreg s10;
	s20 =	sshrl.u32 s11, $0x2  }
0x21: {  	s10 =	sadd.s32 $0x38400, s12;
	s11 =	sadd.s32 $0x43800, s12;
	s12 =	sadd.s32 $0x4EC00, s12  }
0x22: {  	s19 =	sadd.s32 s20, s2;
	s20 =	sadd.s32 s23, s2;
	s3 =	sshrl.u32 s10, $0x2  }
0x23: {  	s24 =	sshrl.u32 s11, $0x2;
	s25 =	sshrl.u32 s12, $0x2;
	s23 =	sadd.s32 s3, s2  }
0x24: {  	s24 =	sadd.s32 s24, s2;
	s25 =	sadd.s32 s25, s2;
	s3 =	simm.s32 $0x2  }
.LBB2_1:
0x25: {  	[tilespmem:s9], [sflag:$0x2] =	stream.linear.gather [hbm4b:s15+s9], $0x2800, $0x38;
	[tilespmem:$0x1E500] =	vst v63  }
0x26: {  	_ =	swait.ge [sflag:s3], $0x2800  }
0x27: {  	[sflag:s3] =	ssyncset.done $0x0  }
0x28: {  	s10 =	simm.s32 $0x2800;
	s8 =	rddreg [dreg:$0xc];
	[sflag:s3] =	ssyncadd.s32 $0xFFFFD800  }
0x29: {  	[tilespmem:s10], [sflag:$0x2] =	stream.linear.gather [hbm4b:s8+s9], $0x2800, $0x38;
	[tilespmem:$0x1E500] =	vst v63  }
0x2a: {  	_ =	swait.ge [sflag:s3], $0x2800  }
0x2b: {  	[sflag:s3] =	ssyncset.done $0x0  }
0x2c: {  	[sflag:s3] =	ssyncadd.s32 $0xFFFFD800  }
0x2d: {  	[tilespmem:s4], [sflag:$0x2] =	stream.linear.gather [hbm4b:s14+s9], $0x2D00, $0x38;
	[tilespmem:$0x1E500] =	vst v63  }
0x2e: {  	_ =	swait.ge [sflag:s3], $0x2D00  }
0x2f: {  	[sflag:s3] =	ssyncset.done $0x0  }
0x30: {  	[sflag:s3] =	ssyncadd.s32 $0xFFFFD300  }
0x31: {  	[spmem:s18] =	stream.linear.scatter [tilespmem:s4], [sflag:$0x2], $0x2D00, $0x38;
	[tilespmem:$0x1E500] =	vst v63  }
0x32: {  	_ =	swait.ge [sflag:s3], $0x2D00  }
0x33: {  	[sflag:s3] =	ssyncset.done $0x0  }
0x34: {  	[sflag:s3] =	ssyncadd.s32 $0xFFFFD300  }
0x35: {  	[spmem:s19] =	stream.linear.scatter [tilespmem:s4], [sflag:$0x2], $0x2D00, $0x38;
	[tilespmem:$0x1E500] =	vst v63  }
0x36: {  	_ =	swait.ge [sflag:s3], $0x2D00  }
0x37: {  	[sflag:s3] =	ssyncset.done $0x0  }
0x38: {  	[sflag:s3] =	ssyncadd.s32 $0xFFFFD300  }
0x39: {  	[spmem:s20] =	stream.linear.scatter [tilespmem:s4], [sflag:$0x2], $0x2D00, $0x38;
	[tilespmem:$0x1E500] =	vst v63  }
0x3a: {  	_ =	swait.ge [sflag:s3], $0x2D00  }
0x3b: {  	[sflag:s3] =	ssyncset.done $0x0  }
0x3c: {  	[sflag:s3] =	ssyncadd.s32 $0xFFFFD300  }
0x3d: {  	[spmem:s21] =	stream.linear.scatter [tilespmem:s4], [sflag:$0x2], $0x2D00, $0x38;
	[tilespmem:$0x1E500] =	vst v63  }
0x3e: {  	_ =	swait.ge [sflag:s3], $0x2D00  }
0x3f: {  	[sflag:s3] =	ssyncset.done $0x0  }
0x40: {  	[sflag:s3] =	ssyncadd.s32 $0xFFFFD300  }
0x41: {  	[spmem:s22] =	stream.linear.scatter [tilespmem:s4], [sflag:$0x2], $0x2D00, $0x38;
	[tilespmem:$0x1E500] =	vst v63  }
0x42: {  	_ =	swait.ge [sflag:s3], $0x2D00  }
0x43: {  	[sflag:s3] =	ssyncset.done $0x0  }
0x44: {  	[sflag:s3] =	ssyncadd.s32 $0xFFFFD300  }
0x45: {  	[spmem:s23] =	stream.linear.scatter [tilespmem:s4], [sflag:$0x2], $0x2D00, $0x38;
	[tilespmem:$0x1E500] =	vst v63  }
0x46: {  	_ =	swait.ge [sflag:s3], $0x2D00  }
0x47: {  	[sflag:s3] =	ssyncset.done $0x0  }
0x48: {  	[sflag:s3] =	ssyncadd.s32 $0xFFFFD300  }
0x49: {  	[spmem:s24] =	stream.linear.scatter [tilespmem:s4], [sflag:$0x2], $0x2D00, $0x38;
	[tilespmem:$0x1E500] =	vst v63  }
0x4a: {  	_ =	swait.ge [sflag:s3], $0x2D00  }
0x4b: {  	[sflag:s3] =	ssyncset.done $0x0  }
0x4c: {  	[sflag:s3] =	ssyncadd.s32 $0xFFFFD300  }
0x4d: {  	[spmem:s25] =	stream.linear.scatter [tilespmem:s4], [sflag:$0x2], $0x2D00, $0x38;
	[tilespmem:$0x1E500] =	vst v63  }
0x4e: {  	_ =	swait.ge [sflag:s3], $0x2D00  }
0x4f: {  	[sflag:s3] =	ssyncset.done $0x0  }
0x50: {  	[sflag:s3] =	ssyncadd.s32 $0xFFFFD300  }
0x51: {  	s11 =	simm.s32 $0x0;
	[bflag:$0x0] =	sbarrier.arrive $0xFFFF  }
0x52: {  	[tilespmem:s4], [sflag:$0x1] =	stream.indirect.gather [hbm4b:s13+s5], $0x90, s11, s5, $0xb8;
	[tilespmem:$0x1E500] =	vst v63  }
0x53: {  	_ =	swait.ge [sflag:s6], $0x2D00  }
0x54: {  	[sflag:s6] =	ssyncset.done $0x0  }
0x55: {  	s12 =	simm.s32 $0x2800;
	[sflag:s6] =	ssyncadd.s32 $0xFFFFD300  }
0x56: {  	[spmem:s2] =	stream.indirect.scatter.add.f32 [tilespmem:s4], [sflag:$0x2], $0x90, s12, s5, $0xb8;
	[tilespmem:$0x1E500] =	vst v63  }
0x57: {  	_ =	swait.ge [sflag:s3], $0x2D00  }
0x58: {  	s8 =	simm.s32 $0x140;
	s10 =	simm.s32 $0x280;
	[sflag:s3] =	ssyncset.done $0x0  }
.LBB2_2:
0x59: {  	s11 =	sshra.s32 s8, $0x2  }
0x5a: {  	[sflag:s3] =	ssyncadd.s32 $0xFFFFD300;
	s8 =	smov.u32 s10;
	s12 =	sadd.s32 $0x140, s10  }
0x5b: {  	[tilespmem:s4], [sflag:$0x1] =	stream.indirect.gather [hbm4b:s13+s5], $0x90, s11, s5, $0xb8;
	[tilespmem:$0x1E500] =	vst v63  }
0x5c: {  	p0 =	sne.s32 s10, $0x9EC0;
	_ =	swait.ge [sflag:s6], $0x2D00  }
.Ltmp0:
0x5d: {  	[sflag:s6] =	ssyncset.done $0x0;
	(pc) =	sbr.rel @p0 .LBB2_2-.Ltmp0, $4  }
0x5e: {  	s10 =	sadd.s32 $0x2800, s11;
	[sflag:s6] =	ssyncadd.s32 $0xFFFFD300  }
0x5f: {  	[spmem:s2] =	stream.indirect.scatter.add.f32 [tilespmem:s4], [sflag:$0x2], $0x90, s10, s5, $0xb8;
	[tilespmem:$0x1E500] =	vst v63  }
0x60: {  	_ =	swait.ge [sflag:s3], $0x2D00  }
0x61: {  	s10 =	smov.u32 s12;
	[sflag:s3] =	ssyncset.done $0x0  }
0x62: {  	s8 =	sshra.s32 s8, $0x2;
	[sflag:s3] =	ssyncadd.s32 $0xFFFFD300  }
0x63: {  	[tilespmem:s4], [sflag:$0x1] =	stream.indirect.gather [hbm4b:s13+s5], $0x90, s8, s5, $0xb8;
	[tilespmem:$0x1E500] =	vst v63  }
0x64: {  	_ =	swait.ge [sflag:s6], $0x2D00  }
0x65: {  	[sflag:s6] =	ssyncset.done $0x0  }
0x66: {  	s8 =	sadd.s32 $0x2800, s8;
	[sflag:s6] =	ssyncadd.s32 $0xFFFFD300  }
0x67: {  	[spmem:s2] =	stream.indirect.scatter.add.f32 [tilespmem:s4], [sflag:$0x2], $0x90, s8, s5, $0xb8;
	[tilespmem:$0x1E500] =	vst v63  }
0x68: {  	_ =	swait.ge [sflag:s3], $0x2D00  }
0x69: {  	[sflag:s3] =	ssyncset.done $0x0  }
0x6a: {  	[sflag:s3] =	ssyncadd.s32 $0xFFFFD300  }
0x6b: {  	[bflag:$0x0] =	sbarrier.arrive $0xFFFF  }
0x6c: {  	[tilespmem:s4], [sflag:$0x2] =	stream.linear.gather [spmem:s16], $0x2D00, $0x38;
	[tilespmem:$0x1E500] =	vst v63  }
0x6d: {  	_ =	swait.ge [sflag:s3], $0x2D00  }
0x6e: {  	[sflag:s3] =	ssyncset.done $0x0  }
0x6f: {  	s11 =	rddreg [dreg:$0x4];
	[sflag:s3] =	ssyncadd.s32 $0xFFFFD300  }
0x70: {  	[hbm4b:s11+s9] =	stream.linear.scatter [tilespmem:s4], [sflag:$0x2], $0x2D00, $0x38;
	[tilespmem:$0x1E500] =	vst v63  }
0x71: {  	_ =	swait.ge [sflag:s3], $0x2D00  }
0x72: {  	[sflag:s3] =	ssyncset.done $0x0  }
0x73: {  	[sflag:s3] =	ssyncadd.s32 $0xFFFFD300  }
0x74: {  	[tilespmem:s4], [sflag:$0x2] =	stream.linear.gather [spmem:s26], $0x2D00, $0x38;
	[tilespmem:$0x1E500] =	vst v63  }
0x75: {  	_ =	swait.ge [sflag:s3], $0x2D00  }
0x76: {  	[sflag:s3] =	ssyncset.done $0x0  }
0x77: {  	s12 =	rddreg [dreg:$0x5];
	[sflag:s3] =	ssyncadd.s32 $0xFFFFD300  }
0x78: {  	[hbm4b:s12+s9] =	stream.linear.scatter [tilespmem:s4], [sflag:$0x2], $0x2D00, $0x38;
	[tilespmem:$0x1E500] =	vst v63  }
0x79: {  	_ =	swait.ge [sflag:s3], $0x2D00  }
0x7a: {  	[sflag:s3] =	ssyncset.done $0x0  }
0x7b: {  	[sflag:s3] =	ssyncadd.s32 $0xFFFFD300  }
0x7c: {  	[tilespmem:s4], [sflag:$0x2] =	stream.linear.gather [spmem:s28], $0x2D00, $0x38;
	[tilespmem:$0x1E500] =	vst v63  }
0x7d: {  	_ =	swait.ge [sflag:s3], $0x2D00  }
0x7e: {  	[sflag:s3] =	ssyncset.done $0x0  }
0x7f: {  	s10 =	rddreg [dreg:$0x6];
	[sflag:s3] =	ssyncadd.s32 $0xFFFFD300  }
0x80: {  	[hbm4b:s10+s9] =	stream.linear.scatter [tilespmem:s4], [sflag:$0x2], $0x2D00, $0x38;
	[tilespmem:$0x1E500] =	vst v63  }
0x81: {  	_ =	swait.ge [sflag:s3], $0x2D00  }
0x82: {  	[sflag:s3] =	ssyncset.done $0x0  }
0x83: {  	[sflag:s3] =	ssyncadd.s32 $0xFFFFD300  }
0x84: {  	[tilespmem:s4], [sflag:$0x2] =	stream.linear.gather [spmem:s29], $0x2D00, $0x38;
	[tilespmem:$0x1E500] =	vst v63  }
0x85: {  	_ =	swait.ge [sflag:s3], $0x2D00  }
0x86: {  	[sflag:s3] =	ssyncset.done $0x0  }
0x87: {  	s11 =	rddreg [dreg:$0x7];
	[sflag:s3] =	ssyncadd.s32 $0xFFFFD300  }
0x88: {  	[hbm4b:s11+s9] =	stream.linear.scatter [tilespmem:s4], [sflag:$0x2], $0x2D00, $0x38;
	[tilespmem:$0x1E500] =	vst v63  }
0x89: {  	_ =	swait.ge [sflag:s3], $0x2D00  }
0x8a: {  	[sflag:s3] =	ssyncset.done $0x0  }
0x8b: {  	[sflag:s3] =	ssyncadd.s32 $0xFFFFD300  }
0x8c: {  	[tilespmem:s4], [sflag:$0x2] =	stream.linear.gather [spmem:s30], $0x2D00, $0x38;
	[tilespmem:$0x1E500] =	vst v63  }
0x8d: {  	_ =	swait.ge [sflag:s3], $0x2D00  }
0x8e: {  	[sflag:s3] =	ssyncset.done $0x0  }
0x8f: {  	s12 =	rddreg [dreg:$0x8];
	[sflag:s3] =	ssyncadd.s32 $0xFFFFD300  }
0x90: {  	[hbm4b:s12+s9] =	stream.linear.scatter [tilespmem:s4], [sflag:$0x2], $0x2D00, $0x38;
	[tilespmem:$0x1E500] =	vst v63  }
0x91: {  	_ =	swait.ge [sflag:s3], $0x2D00  }
0x92: {  	[sflag:s3] =	ssyncset.done $0x0  }
0x93: {  	[sflag:s3] =	ssyncadd.s32 $0xFFFFD300  }
0x94: {  	[tilespmem:s4], [sflag:$0x2] =	stream.linear.gather [spmem:s31], $0x2D00, $0x38;
	[tilespmem:$0x1E500] =	vst v63  }
0x95: {  	_ =	swait.ge [sflag:s3], $0x2D00  }
0x96: {  	[sflag:s3] =	ssyncset.done $0x0  }
0x97: {  	s10 =	rddreg [dreg:$0x9];
	[sflag:s3] =	ssyncadd.s32 $0xFFFFD300  }
0x98: {  	[hbm4b:s10+s9] =	stream.linear.scatter [tilespmem:s4], [sflag:$0x2], $0x2D00, $0x38;
	[tilespmem:$0x1E500] =	vst v63  }
0x99: {  	_ =	swait.ge [sflag:s3], $0x2D00  }
0x9a: {  	[sflag:s3] =	ssyncset.done $0x0  }
0x9b: {  	[sflag:s3] =	ssyncadd.s32 $0xFFFFD300  }
0x9c: {  	[tilespmem:s4], [sflag:$0x2] =	stream.linear.gather [spmem:s1], $0x2D00, $0x38;
	[tilespmem:$0x1E500] =	vst v63  }
0x9d: {  	_ =	swait.ge [sflag:s3], $0x2D00  }
0x9e: {  	[sflag:s3] =	ssyncset.done $0x0  }
0x9f: {  	s11 =	rddreg [dreg:$0xa];
	[sflag:s3] =	ssyncadd.s32 $0xFFFFD300  }
0xa0: {  	[hbm4b:s11+s9] =	stream.linear.scatter [tilespmem:s4], [sflag:$0x2], $0x2D00, $0x38;
	[tilespmem:$0x1E500] =	vst v63  }
0xa1: {  	_ =	swait.ge [sflag:s3], $0x2D00  }
0xa2: {  	[sflag:s3] =	ssyncset.done $0x0  }
0xa3: {  	[sflag:s3] =	ssyncadd.s32 $0xFFFFD300  }
0xa4: {  	[tilespmem:s4], [sflag:$0x2] =	stream.linear.gather [spmem:s0], $0x2D00, $0x38;
	[tilespmem:$0x1E500] =	vst v63  }
0xa5: {  	s7 =	sadd.s32 $0x1, s7;
	_ =	swait.ge [sflag:s3], $0x2D00  }
0xa6: {  	p0 =	sne.s32 s7, s17;
	[sflag:s3] =	ssyncset.done $0x0  }
.Ltmp1:
0xa7: {  	s12 =	rddreg [dreg:$0xb];
	[sflag:s3] =	ssyncadd.s32 $0xFFFFD300;
	(pc) =	sbr.rel @p0 .LBB2_1-.Ltmp1, $4  }
0xa8: {  	[hbm4b:s12+s9] =	stream.linear.scatter [tilespmem:s4], [sflag:$0x2], $0x2D00, $0x38;
	[tilespmem:$0x1E500] =	vst v63  }
0xa9: {  	_ =	swait.ge [sflag:s3], $0x2D00  }
0xaa: {  	[sflag:s3] =	ssyncset.done $0x0  }
0xab: {  	[sflag:s3] =	ssyncadd.s32 $0xFFFFD300  }
0xac: {  	_ =	sfence.sel $0x180000  }
0xad: {  	[bflag:$0x0] =	sbarrier.arrive $0xFFFF  }
0xae: {  	_ =	strace $0x9000004A  }
0xaf: {  	s0 =	stileid.u32;
	[bflag:$0x2] =	sbarrier.arrive $0xFFFF  }
0xb0: {  	p0 =	sne.s32 s0, $0x0;
	s0 =	rddreg [dreg:$0x3]  }
0xb1: {  	s0 =	sadd.s32 @!p0 $0x100000, s0  }
0xb2: {  	[sflag:s0] =	ssyncadd.tile.s32 @!p0 $0x1;
	_ =	shalt  }
.Lfunc_end2:
_tile_overlayer_lowered:
.L_overlay_start_2:
0xb3: {  	(tag) =	ssettag $0x2  }
0xb4: {  	s0 =	rddreg [dreg:$0x0];
	s2 =	stileid.u32  }
0xb5: {  	s1 =	rddreg [dreg:$0x1];
	p0 =	sne.s32 s2, $0x0  }
0xb6: {  	s3 =	rddreg [dreg:$0x2];
	[bflag:$0x3] =	sbarrier.arrive $0xFFFF;
	s2 =	simm.s32 @!p0 $0x1C02  }
0xb7: {  	[timem:s3], [sflag:s2] =	dma.local @!p0 [hbm:s0], s1  }
0xb8: {  	s0 =	simm.s32 @!p0 $0x2  }
0xb9: {  	_ =	swait.ge @!p0 [sflag:s0], s1  }
0xba: {  	s1 =	ssub.s32 @!p0 $0x0, s1;
	[sflag:s0] =	ssyncset.done @!p0 $0x0  }
0xbb: {  	[sflag:s0] =	ssyncadd.s32 @!p0 s1  }
0xbc: {  	[bflag:$0x3] =	sbarrier.arrive $0xFFFF  }
0xbd: {  	_ =	shalt  }

// kernel: kernel.7.cloned.1.call-start
scs
__scs_entry_jumppad:
0x0: {  	(pc) =	sbr.rel $0x88, $3  }
0x1: {  	(tag) =	ssettag $0x0;
	lr =	simm.s32 $0x1  }
0x2: {  	[smem:$0x3F9B] =	sst lr;
	_ =	strace $0xD0000000  }
0x3: {  	_ = 	snop  }
0x4: {  	_ = 	snop  }
0x5: {  	_ = 	snop  }
0x6: {  	_ = 	snop  }
0x7: {  	_ = 	snop  }
__scs_overlays_trampoline_lowered:
0x8: {  	[smem:$0x3FAA] =	sst s0  }
0x9: {  	[smem:$0x3FAB] =	sst s1  }
0xa: {  	[smem:$0x3FAC] =	sst s2  }
0xb: {  	[smem:$0x3FAD] =	sst s3  }
0xc: {  	[smem:$0x3FAE] =	sst s4  }
0xd: {  	[smem:$0x3FAF] =	sst s5  }
0xe: {  	[smem:$0x3FB0] =	sst s6  }
0xf: {  	[smem:$0x3FB1] =	sst s7  }
0x10: {  	[smem:$0x3FB2] =	sst s8  }
0x11: {  	[smem:$0x3FB3] =	sst s9;
	s0 =	simm.s32 @!p0 $0x0  }
0x12: {  	s1 =	sld [smem:$0x3F99];
	s0 =	simm.s32 @p0 $0x1  }
0x13: {  	[smem:$0x3FB4] =	sst s0;
	s0 =	simm.s32 @!p1 $0x0  }
0x14: {  	s2 =	sld [smem:$0x3F98];
	s0 =	simm.s32 @p1 $0x1  }
0x15: {  	[smem:$0x3FB5] =	sst s0;
	s0 =	simm.s32 @!p2 $0x0  }
0x16: {  	s3 =	sld [smem:$0x3FDB];
	s0 =	simm.s32 @p2 $0x1  }
0x17: {  	s4 =	simm.s32 $0x1BF5;
	[smem:$0x3FB7] =	sst s0  }
0x18: {  	s0 =	sld [smem:$0x3F9A];
	_ =	swait.ge [sflag:s4], $0x0  }
0x19: {  	s7 =	sld [smem:$0x3F9B]  }
0x1a: {  	s8 =	sadd.s32 $0xFFFFE003, lr  }
0x1b: {  	s9 =	sadd.s32 $0xFFFFFEF7, lr;
	s5 =	simm.s32 $0xFFFFFFFF;
	p2 =	slt.u32 s8, $0xFFFFF086  }
0x1c: {  	p1 =	slt.u32 s9, $0xF7A;
	s5 =	simm.s32 @!p2 $0x0  }
0x1d: {  	s5 =	simm.s32 @p1 $0x1;
	p0 =	seq.s32 s7, s2  }
0x1e: {  	s7 =	smul.u32 @!p0 $0xF7A, s2;
	p2 =	seq.s32 @!p0 s5, $0x0  }
0x1f: {  	s9 =	smul.u32 $0xF7A, s1;
	s8 =	simm.s32 @!p0 $0x1BF5;
	p2 =	por !p2, p0  }
0x20: {  	[sflag:s8] =	ssyncset.s32 @!p0 $0xFFFFF086;
	s6 =	sadd.s32 @!p0 s3, s7;
	s7 =	simm.s32 @!p0 $0x108  }
0x21: {  	s3 =	sadd.s32 s3, s9;
	s6 =	sadd.s32 @!p0 $0x88, s6;
	s7 =	simm.s32 @p2 $0x1082  }
0x22: {  	[simem:s7], [sflag:s8] =	dma.local @!p0 [hbm:s6], $0xF7A  }
0x23: {  	s9 =	sor.u32 $0xD0000000, s2;
	s6 =	simm.s32 $0x108;
	_ =	swait.ge @!p0 [sflag:s8], $0x0  }
0x24: {  	s3 =	sadd.s32 $0x88, s3;
	s6 =	simm.s32 @!p1 $0x1082;
	[sflag:s4] =	ssyncset.s32 $0xFFFFF086  }
0x25: {  	[simem:s6], [sflag:s4] =	dma.local [hbm:s3], $0xF7A  }
0x26: {  	[smem:$0x3F9B] =	sst s1;
	(tag) =	ssettag s2;
	_ =	strace s9  }
0x27: {  	s1 =	sld [smem:$0x3FAB]  }
0x28: {  	s2 =	sld [smem:$0x3FAC]  }
0x29: {  	s4 =	sld [smem:$0x3FAE]  }
0x2a: {  	p0 =	seq.s32 s5, $0x0;
	s5 =	sld [smem:$0x3FAF]  }
0x2b: {  	s6 =	sld [smem:$0x3FB0]  }
0x2c: {  	s7 =	sld [smem:$0x3FB1]  }
0x2d: {  	s3 =	simm.s32 $0x108;
	s8 =	sld [smem:$0x3FB2]  }
0x2e: {  	s3 =	simm.s32 @!p0 $0x1082;
	s9 =	sld [smem:$0x3FB3]  }
0x2f: {  	lr =	sadd.s32 s0, s3;
	s0 =	sld [smem:$0x3FAA]  }
0x30: {  	s3 =	sld [smem:$0x3FAD]  }
0x31: {  	[smem:$0x3FB6] =	sst s10  }
0x32: {  	s10 =	sld [smem:$0x3FB4];
	_ =	sdelay $0x3  }
0x33: {  	p0 =	seq.s32 s10, $0x1;
	s10 =	sld [smem:$0x3FB6];
	_ =	sdelay $0x3  }
0x34: {  	[smem:$0x3FB6] =	sst s10  }
0x35: {  	s10 =	sld [smem:$0x3FB5];
	_ =	sdelay $0x3  }
0x36: {  	p1 =	seq.s32 s10, $0x1;
	s10 =	sld [smem:$0x3FB6];
	_ =	sdelay $0x3  }
0x37: {  	[smem:$0x3FB6] =	sst s10  }
0x38: {  	s10 =	sld [smem:$0x3FB7]  }
0x39: {  	_ = 	snop;
	(pc) =	sbr.ind lr, $3  }
0x3a: {  	_ = 	snop  }
0x3b: {  	_ = 	snop  }
0x3c: {  	p2 =	seq.s32 s10, $0x1;
	s10 =	sld [smem:$0x3FB6]  }
0x3d: {  	_ =	shalt  }
0x3e: {  	_ =	shalt  }
0x3f: {  	_ =	shalt  }
0x40: {  	_ =	shalt  }
0x41: {  	_ =	shalt  }
0x42: {  	_ =	shalt  }
0x43: {  	_ =	shalt  }
0x44: {  	_ =	shalt  }
0x45: {  	_ =	shalt  }
0x46: {  	_ =	shalt  }
0x47: {  	_ =	shalt  }
0x48: {  	_ =	shalt  }
0x49: {  	_ =	shalt  }
0x4a: {  	_ =	shalt  }
0x4b: {  	_ =	shalt  }
0x4c: {  	_ =	shalt  }
0x4d: {  	_ =	shalt  }
0x4e: {  	_ =	shalt  }
0x4f: {  	_ =	shalt  }
0x50: {  	_ =	shalt  }
0x51: {  	_ =	shalt  }
0x52: {  	_ =	shalt  }
0x53: {  	_ =	shalt  }
0x54: {  	_ =	shalt  }
0x55: {  	_ =	shalt  }
0x56: {  	_ =	shalt  }
0x57: {  	_ =	shalt  }
0x58: {  	_ =	shalt  }
0x59: {  	_ =	shalt  }
0x5a: {  	_ =	shalt  }
0x5b: {  	_ =	shalt  }
0x5c: {  	_ =	shalt  }
0x5d: {  	_ =	shalt  }
0x5e: {  	_ =	shalt  }
0x5f: {  	_ =	shalt  }
0x60: {  	_ =	shalt  }
0x61: {  	_ =	shalt  }
0x62: {  	_ =	shalt  }
0x63: {  	_ =	shalt  }
0x64: {  	_ =	shalt  }
0x65: {  	_ =	shalt  }
0x66: {  	_ =	shalt  }
0x67: {  	_ =	shalt  }
0x68: {  	_ =	shalt  }
0x69: {  	_ =	shalt  }
0x6a: {  	_ =	shalt  }
0x6b: {  	_ =	shalt  }
0x6c: {  	_ =	shalt  }
0x6d: {  	_ =	shalt  }
0x6e: {  	_ =	shalt  }
0x6f: {  	_ =	shalt  }
0x70: {  	_ =	shalt  }
0x71: {  	_ =	shalt  }
0x72: {  	_ =	shalt  }
0x73: {  	_ =	shalt  }
0x74: {  	_ =	shalt  }
0x75: {  	_ =	shalt  }
0x76: {  	_ =	shalt  }
0x77: {  	_ =	shalt  }
0x78: {  	_ =	shalt  }
0x79: {  	_ =	shalt  }
0x7a: {  	_ =	shalt  }
0x7b: {  	_ =	shalt  }
0x7c: {  	_ =	shalt  }
0x7d: {  	_ =	shalt  }
0x7e: {  	_ =	shalt  }
0x7f: {  	_ =	shalt  }
0x80: {  	_ =	shalt  }
0x81: {  	_ =	shalt  }
0x82: {  	_ =	shalt  }
0x83: {  	_ =	shalt  }
0x84: {  	_ =	shalt  }
0x85: {  	_ =	shalt  }
0x86: {  	_ =	shalt  }
0x87: {  	_ =	shalt  }
.Lfunc_end0:
.L_simem_size_0:
called_computation_lowered:
.L_overlay_start_0:
0x88: {  	s2 =	sld [smem:$0x3FD9]  }
0x89: {  	s3 =	sld [smem:$0x3FFE];
	_ =	sdelay $0x1  }
0x8a: {  	s1 =	srdreg.scid  }
0x8b: {  	s0 =	sand.u32 $0x1, s1  }
0x8c: {  	s17 =	sshll.u32 s0, $0xA;
	s2 =	sadd.s32 s3, s2  }
0x8d: {  	s2 =	sadd.s32 s2, s17  }
0x8e: {  	[smem:$0x3FC2] =	sst s2  }
0x8f: {  	_ = 	snop  }
0x90: {  	s2 =	sld [smem:$0x3FD0];
	(tm) =	ssettm $0x1  }
0x91: {  	s18 =	sld [smem:$0x3FFB];
	_ =	sdelay $0x3  }
0x92: {  	_ =	strace s18  }
0x93: {  	s3 =	sld [smem:$0x3FFC];
	_ =	sdelay $0x3  }
0x94: {  	_ =	strace s3  }
0x95: {  	s3 =	sld [smem:$0x3FFD];
	_ =	sdelay $0x3  }
0x96: {  	_ =	strace s3  }
0x97: {  	_ =	strace $0x8FFFFFFF  }
0x98: {  	s19 =	sld [smem:$0x3FDB];
	_ =	sdelay $0x1  }
0x99: {  	s4 =	simm.s32 $_scs_section_size  }
0x9a: {  	s5 =	simm.s32 $_size__tile_overlayer_lowered;
	s6 =	simm.s32 $_tile_overlayer_lowered  }
0x9b: {  	s22 =	simm.s32 $0x1BFF;
	s21 =	sshll.u32 s6, $0x1;
	s3 =	sadd.s32 s4, s19  }
0x9c: {  	s7 =	simm.s32 $0x0;
	s20 =	sshll.u32 s5, $0x1;
	s5 =	sadd.s32 s21, s3  }
0x9d: {  	[timem:s7], [sflag:s22] =	dma.local [hbm:s5], s20  }
0x9e: {  	_ =	swait.ge [sflag:s22], s20  }
0x9f: {  	s4 =	ssub.s32 $0x0, s20;
	[sflag:s22] =	ssyncset.done $0x0  }
0xa0: {  	[sflag:s22] =	ssyncadd.s32 s4;
	_ =	sdelay $0x1  }
0xa1: {  	s23 =	simm.s32 $0x1B8B  }
0xa2: {  	_ =	swait.ge [sflag:s23], $0x1  }
0xa3: {  	[sflag:s23] =	ssyncset.done $0x0  }
0xa4: {  	s25 =	simm.s32 $0x1B8E;
	s24 =	sld [smem:$0x3FFE];
	[sflag:s23] =	ssyncadd.s32 $0xFFFFFFFF  }
0xa5: {  	s26 =	simm.s32 $execute0_lowered;
	[smem:$0x3FD2] =	sst s25  }
0xa6: {  	s5 =	sshll.u32 s26, $0x1;
	_ =	strace $0x80000046;
	[dreg:$0x1] =	wrdreg $0xFFFFFFFF  }
0xa7: {  	s28 =	simm.s32 $_size_execute0_lowered;
	s3 =	sadd.s32 s3, s5;
	[dreg:$0x0] =	wrdreg $0x0  }
0xa8: {  	s5 =	sshll.u32 s28, $0x1;
	[dreg:$0x2] =	wrdreg s3  }
0xa9: {  	[dreg:$0x3] =	wrdreg s5  }
0xaa: {  	[dreg:$0x4] =	wrdreg $0xC0  }
0xab: {  	_ =	task [dreg:s7], $0x5FFFF  }
0xac: {  	[dreg:$0x1] =	wrdreg $0xFFFFFFFF  }
0xad: {  	[dreg:$0x0] =	wrdreg $0x60  }
0xae: {  	[dreg:$0x2] =	wrdreg s24  }
0xaf: {  	[dreg:$0x3] =	wrdreg s2  }
0xb0: {  	[dreg:$0x4] =	wrdreg $0x7D000  }
0xb1: {  	[dreg:$0x5] =	wrdreg $0x9  }
0xb2: {  	_ =	task.clear_ibuf [dreg:s7], $0x6FFFF;
	_ =	strace $0x90000046  }
0xb3: {  	s29 =	simm.s32 $0x9;
	_ =	strace $0x80000048  }
0xb4: {  	_ =	swait.ge [sflag:s29], $0x1  }
0xb5: {  	[sflag:s29] =	ssyncadd.s32 $0xFFFFFFFF  }
0xb6: {  	_ =	strace $0x90000048  }
0xb7: {  	_ =	sfence  }
0xb8: {  	s30 =	sld [smem:$0x0];
	_ =	sdelay $0x2  }
0xb9: {  	s31 =	sshll.u32 s1, $0xD;
	s1 =	sshrl.u32 s1, $0x2  }
0xba: {  	s3 =	sand.u32 $0x4000, s31;
	s1 =	sadd.s32 s1, s30  }
0xbb: {  	s0 =	sor.u32 s3, s0;
	s1 =	sshll.u32 s1, $0x11  }
0xbc: {  	s0 =	sor.u32 s1, s0  }
0xbd: {  	s0 =	sadd.s32 $0x8F2B, s0  }
0xbe: {  	[sflag:s0] =	ssyncadd.remote.s32 $0x1  }
0xbf: {  	_ =	sfence.sel $0xFFFF  }
0xc0: {  	[dreg:$0x0] =	wrdreg $0xFFFFFFFF;
	(pc) =	sbr.abs _section_cstart, $3  }
0xc1: {  	[dreg:$0x1] =	wrdreg $0xFFFFFFFF  }
0xc2: {  	_ =	task.clear_ibuf [dreg:s7], $0x2FFFF;
	_ =	strace $0x9FFFFFFF  }
0xc3: {  	(tm) =	ssettm $0x7FFFFFFF  }
tec
execute0_lowered:
.L_overlay_start_1:
0x0: {  	(tag) =	ssettag $0x1  }
0x1: {  	s0 =	srdreg.scid  }
0x2: {  	s15 =	stileid.u32;
	s4 =	rddreg [dreg:$0x0]  }
0x3: {  	s14 =	rddreg [dreg:$0x1];
	s0 =	sand.u32 $0x1, s0;
	s25 =	smul.u32 $0x280, s15  }
0x4: {  	s1 =	sshll.u32 s15, $0x8;
	s7 =	smul.u32 $0x16800, s15;
	s10 =	sadd.s32 $0x38000, s4  }
0x5: {  	s2 =	sshll.u32 s0, $0x7;
	s6 =	smul.u32 $0x168000, s0;
	s9 =	ssub.s32 $0x2, s0  }
0x6: {  	s1 =	sor.u32 s2, s1;
	s2 =	rddreg [dreg:$0x2];
	s8 =	sor.u32 $0x50, s25  }
0x7: {  	s11 =	sshrl.u32 s9, $0x1;
	s17 =	sadd.s32 $0xA0, s25;
	s3 =	smul.u32 $0xA, s1  }
0x8: {  	s29 =	sadd.s32 $0x8700, s7;
	s30 =	sadd.s32 $0xB400, s7;
	s26 =	smul.u32 $0x90, s8  }
0x9: {  	s31 =	sadd.s32 $0xE100, s7;
	s12 =	sadd.s32 s6, s7;
	s1 =	smul.u32 $0x90, s17  }
0xa: {  	s18 =	ssub.s32 s9, s11;
	s19 =	sadd.s32 s6, s29;
	s20 =	sadd.s32 s6, s30  }
0xb: {  	s23 =	sadd.s32 s6, s31;
	s29 =	sadd.s32 s29, s2;
	s30 =	sadd.s32 s30, s2  }
0xc: {  	s31 =	sadd.s32 s31, s2;
	s0 =	sshrl.u32 s12, $0x3;
	s11 =	sshrl.u32 s20, $0x3  }
0xd: {  	s13 =	sadd.s32 s6, s26;
	s9 =	sadd.s32 s10, s0;
	s22 =	sadd.s32 s10, s11  }
0xe: {  	s0 =	sadd.s32 $0x13B00, s7;
	s26 =	sadd.s32 s26, s2;
	s28 =	sadd.s32 s1, s2  }
0xf: {  	s5 =	sshrl.u32 s13, $0x3;
	[dreg:$0x4] =	wrdreg s9;
	s13 =	sadd.s32 s6, s1  }
0x10: {  	[dreg:$0x8] =	wrdreg s22;
	s12 =	sadd.s32 s10, s5;
	s9 =	sshrl.u32 s13, $0x3  }
0x11: {  	s5 =	sadd.s32 $0x10E00, s7;
	s13 =	sadd.s32 $0xAA00, s4;
	[dreg:$0x5] =	wrdreg s12  }
0x12: {  	s16 =	sadd.s32 s10, s9;
	s9 =	sshrl.u32 s19, $0x3;
	s24 =	sadd.s32 s6, s5  }
0x13: {  	s6 =	sadd.s32 s6, s0;
	s12 =	smul.u32 $0x5A000, s15;
	s1 =	sadd.s32 s5, s2  }
0x14: {  	s0 =	sadd.s32 s0, s2;
	s5 =	simm.s32 $0x50;
	[dreg:$0x6] =	wrdreg s16  }
0x15: {  	s21 =	sadd.s32 s10, s9;
	s9 =	sshrl.u32 s23, $0x3;
	s25 =	sshrl.u32 s24, $0x3  }
0x16: {  	s6 =	sshrl.u32 s6, $0x3;
	s16 =	sadd.s32 s7, s2;
	[dreg:$0x7] =	wrdreg s21  }
0x17: {  	s9 =	sadd.s32 s10, s9;
	s11 =	sadd.s32 s10, s25;
	s6 =	sadd.s32 s10, s6  }
0x18: {  	s10 =	sadd.s32 s14, s3;
	s3 =	sadd.s32 s3, s4;
	s14 =	sadd.s32 $0x37A00, s4  }
0x19: {  	s21 =	smul.u32 $0x240, s17;
	s22 =	sshrl.u32 s12, $0x2;
	[dreg:$0x9] =	wrdreg s9  }
0x1a: {  	s17 =	smax.u32 s18, $0x1;
	s24 =	sadd.s32 $0x21C00, s12;
	[dreg:$0xa] =	wrdreg s11  }
0x1b: {  	s25 =	sadd.s32 $0x2D000, s12;
	s9 =	simm.s32 $0x0;
	[dreg:$0xb] =	wrdreg s6  }
0x1c: {  	s11 =	smul.u32 $0x240, s8;
	s15 =	sadd.s32 $0xA00, s3;
	s18 =	sadd.s32 s22, s2  }
0x1d: {  	s4 =	sshrl.u32 s24, $0x2;
	s7 =	sshrl.u32 s25, $0x2;
	s6 =	simm.s32 $0x1  }
0x1e: {  	[smem:$0x7FF] =	sst s9;
	s23 =	sshrl.u32 s21, $0x2;
	s21 =	sadd.s32 s4, s2  }
0x1f: {  	s22 =	sadd.s32 s7, s2;
	s4 =	simm.s32 $0x5000;
	s7 =	simm.s32 $0x0  }
0x20: {  	_ =	strace $0x80000047;
	[dreg:$0xc] =	wrdreg s10;
	s20 =	sshrl.u32 s11, $0x2  }
0x21: {  	s10 =	sadd.s32 $0x38400, s12;
	s11 =	sadd.s32 $0x43800, s12;
	s12 =	sadd.s32 $0x4EC00, s12  }
0x22: {  	s19 =	sadd.s32 s20, s2;
	s20 =	sadd.s32 s23, s2;
	s3 =	sshrl.u32 s10, $0x2  }
0x23: {  	s24 =	sshrl.u32 s11, $0x2;
	s25 =	sshrl.u32 s12, $0x2;
	s23 =	sadd.s32 s3, s2  }
0x24: {  	s24 =	sadd.s32 s24, s2;
	s25 =	sadd.s32 s25, s2;
	s3 =	simm.s32 $0x2  }
.LBB2_1:
0x25: {  	s8 =	rddreg [dreg:$0xc]  }
0x26: {  	[tilespmem:s9], [sflag:$0x2] =	stream.linear.gather [hbm4b:s8+s9], $0x2800, $0x38;
	[tilespmem:$0x1E500] =	vst v63  }
0x27: {  	_ =	swait.ge [sflag:s3], $0x2800  }
0x28: {  	[sflag:s3] =	ssyncset.done $0x0  }
0x29: {  	s10 =	simm.s32 $0x2800;
	[sflag:s3] =	ssyncadd.s32 $0xFFFFD800  }
0x2a: {  	[tilespmem:s10], [sflag:$0x2] =	stream.linear.gather [hbm4b:s15+s9], $0x2800, $0x38;
	[tilespmem:$0x1E500] =	vst v63  }
0x2b: {  	_ =	swait.ge [sflag:s3], $0x2800  }
0x2c: {  	[sflag:s3] =	ssyncset.done $0x0  }
0x2d: {  	[sflag:s3] =	ssyncadd.s32 $0xFFFFD800  }
0x2e: {  	[tilespmem:s4], [sflag:$0x2] =	stream.linear.gather [hbm4b:s14+s9], $0x2D00, $0x38;
	[tilespmem:$0x1E500] =	vst v63  }
0x2f: {  	_ =	swait.ge [sflag:s3], $0x2D00  }
0x30: {  	[sflag:s3] =	ssyncset.done $0x0  }
0x31: {  	[sflag:s3] =	ssyncadd.s32 $0xFFFFD300  }
0x32: {  	[spmem:s18] =	stream.linear.scatter [tilespmem:s4], [sflag:$0x2], $0x2D00, $0x38;
	[tilespmem:$0x1E500] =	vst v63  }
0x33: {  	_ =	swait.ge [sflag:s3], $0x2D00  }
0x34: {  	[sflag:s3] =	ssyncset.done $0x0  }
0x35: {  	[sflag:s3] =	ssyncadd.s32 $0xFFFFD300  }
0x36: {  	[spmem:s19] =	stream.linear.scatter [tilespmem:s4], [sflag:$0x2], $0x2D00, $0x38;
	[tilespmem:$0x1E500] =	vst v63  }
0x37: {  	_ =	swait.ge [sflag:s3], $0x2D00  }
0x38: {  	[sflag:s3] =	ssyncset.done $0x0  }
0x39: {  	[sflag:s3] =	ssyncadd.s32 $0xFFFFD300  }
0x3a: {  	[spmem:s20] =	stream.linear.scatter [tilespmem:s4], [sflag:$0x2], $0x2D00, $0x38;
	[tilespmem:$0x1E500] =	vst v63  }
0x3b: {  	_ =	swait.ge [sflag:s3], $0x2D00  }
0x3c: {  	[sflag:s3] =	ssyncset.done $0x0  }
0x3d: {  	[sflag:s3] =	ssyncadd.s32 $0xFFFFD300  }
0x3e: {  	[spmem:s21] =	stream.linear.scatter [tilespmem:s4], [sflag:$0x2], $0x2D00, $0x38;
	[tilespmem:$0x1E500] =	vst v63  }
0x3f: {  	_ =	swait.ge [sflag:s3], $0x2D00  }
0x40: {  	[sflag:s3] =	ssyncset.done $0x0  }
0x41: {  	[sflag:s3] =	ssyncadd.s32 $0xFFFFD300  }
0x42: {  	[spmem:s22] =	stream.linear.scatter [tilespmem:s4], [sflag:$0x2], $0x2D00, $0x38;
	[tilespmem:$0x1E500] =	vst v63  }
0x43: {  	_ =	swait.ge [sflag:s3], $0x2D00  }
0x44: {  	[sflag:s3] =	ssyncset.done $0x0  }
0x45: {  	[sflag:s3] =	ssyncadd.s32 $0xFFFFD300  }
0x46: {  	[spmem:s23] =	stream.linear.scatter [tilespmem:s4], [sflag:$0x2], $0x2D00, $0x38;
	[tilespmem:$0x1E500] =	vst v63  }
0x47: {  	_ =	swait.ge [sflag:s3], $0x2D00  }
0x48: {  	[sflag:s3] =	ssyncset.done $0x0  }
0x49: {  	[sflag:s3] =	ssyncadd.s32 $0xFFFFD300  }
0x4a: {  	[spmem:s24] =	stream.linear.scatter [tilespmem:s4], [sflag:$0x2], $0x2D00, $0x38;
	[tilespmem:$0x1E500] =	vst v63  }
0x4b: {  	_ =	swait.ge [sflag:s3], $0x2D00  }
0x4c: {  	[sflag:s3] =	ssyncset.done $0x0  }
0x4d: {  	[sflag:s3] =	ssyncadd.s32 $0xFFFFD300  }
0x4e: {  	[spmem:s25] =	stream.linear.scatter [tilespmem:s4], [sflag:$0x2], $0x2D00, $0x38;
	[tilespmem:$0x1E500] =	vst v63  }
0x4f: {  	_ =	swait.ge [sflag:s3], $0x2D00  }
0x50: {  	[sflag:s3] =	ssyncset.done $0x0  }
0x51: {  	[sflag:s3] =	ssyncadd.s32 $0xFFFFD300  }
0x52: {  	s11 =	simm.s32 $0x0;
	[bflag:$0x0] =	sbarrier.arrive $0xFFFF  }
0x53: {  	[tilespmem:s4], [sflag:$0x1] =	stream.indirect.gather [hbm4b:s13+s5], $0x90, s11, s5, $0xb8;
	[tilespmem:$0x1E500] =	vst v63  }
0x54: {  	_ =	swait.ge [sflag:s6], $0x2D00  }
0x55: {  	[sflag:s6] =	ssyncset.done $0x0  }
0x56: {  	s12 =	simm.s32 $0x2800;
	[sflag:s6] =	ssyncadd.s32 $0xFFFFD300  }
0x57: {  	[spmem:s2] =	stream.indirect.scatter.add.f32 [tilespmem:s4], [sflag:$0x2], $0x90, s12, s5, $0xb8;
	[tilespmem:$0x1E500] =	vst v63  }
0x58: {  	_ =	swait.ge [sflag:s3], $0x2D00  }
0x59: {  	s8 =	simm.s32 $0x140;
	s10 =	simm.s32 $0x280;
	[sflag:s3] =	ssyncset.done $0x0  }
.LBB2_2:
0x5a: {  	s11 =	sshra.s32 s8, $0x2  }
0x5b: {  	[sflag:s3] =	ssyncadd.s32 $0xFFFFD300;
	s8 =	smov.u32 s10;
	s12 =	sadd.s32 $0x140, s10  }
0x5c: {  	[tilespmem:s4], [sflag:$0x1] =	stream.indirect.gather [hbm4b:s13+s5], $0x90, s11, s5, $0xb8;
	[tilespmem:$0x1E500] =	vst v63  }
0x5d: {  	p0 =	sne.s32 s10, $0x9EC0;
	_ =	swait.ge [sflag:s6], $0x2D00  }
.Ltmp0:
0x5e: {  	[sflag:s6] =	ssyncset.done $0x0;
	(pc) =	sbr.rel @p0 .LBB2_2-.Ltmp0, $4  }
0x5f: {  	s10 =	sadd.s32 $0x2800, s11;
	[sflag:s6] =	ssyncadd.s32 $0xFFFFD300  }
0x60: {  	[spmem:s2] =	stream.indirect.scatter.add.f32 [tilespmem:s4], [sflag:$0x2], $0x90, s10, s5, $0xb8;
	[tilespmem:$0x1E500] =	vst v63  }
0x61: {  	_ =	swait.ge [sflag:s3], $0x2D00  }
0x62: {  	s10 =	smov.u32 s12;
	[sflag:s3] =	ssyncset.done $0x0  }
0x63: {  	s8 =	sshra.s32 s8, $0x2;
	[sflag:s3] =	ssyncadd.s32 $0xFFFFD300  }
0x64: {  	[tilespmem:s4], [sflag:$0x1] =	stream.indirect.gather [hbm4b:s13+s5], $0x90, s8, s5, $0xb8;
	[tilespmem:$0x1E500] =	vst v63  }
0x65: {  	_ =	swait.ge [sflag:s6], $0x2D00  }
0x66: {  	[sflag:s6] =	ssyncset.done $0x0  }
0x67: {  	s8 =	sadd.s32 $0x2800, s8;
	[sflag:s6] =	ssyncadd.s32 $0xFFFFD300  }
0x68: {  	[spmem:s2] =	stream.indirect.scatter.add.f32 [tilespmem:s4], [sflag:$0x2], $0x90, s8, s5, $0xb8;
	[tilespmem:$0x1E500] =	vst v63  }
0x69: {  	_ =	swait.ge [sflag:s3], $0x2D00  }
0x6a: {  	[sflag:s3] =	ssyncset.done $0x0  }
0x6b: {  	[sflag:s3] =	ssyncadd.s32 $0xFFFFD300  }
0x6c: {  	[bflag:$0x0] =	sbarrier.arrive $0xFFFF  }
0x6d: {  	[tilespmem:s4], [sflag:$0x2] =	stream.linear.gather [spmem:s16], $0x2D00, $0x38;
	[tilespmem:$0x1E500] =	vst v63  }
0x6e: {  	_ =	swait.ge [sflag:s3], $0x2D00  }
0x6f: {  	[sflag:s3] =	ssyncset.done $0x0  }
0x70: {  	s11 =	rddreg [dreg:$0x4];
	[sflag:s3] =	ssyncadd.s32 $0xFFFFD300  }
0x71: {  	[hbm4b:s11+s9] =	stream.linear.scatter [tilespmem:s4], [sflag:$0x2], $0x2D00, $0x38;
	[tilespmem:$0x1E500] =	vst v63  }
0x72: {  	_ =	swait.ge [sflag:s3], $0x2D00  }
0x73: {  	[sflag:s3] =	ssyncset.done $0x0  }
0x74: {  	[sflag:s3] =	ssyncadd.s32 $0xFFFFD300  }
0x75: {  	[tilespmem:s4], [sflag:$0x2] =	stream.linear.gather [spmem:s26], $0x2D00, $0x38;
	[tilespmem:$0x1E500] =	vst v63  }
0x76: {  	_ =	swait.ge [sflag:s3], $0x2D00  }
0x77: {  	[sflag:s3] =	ssyncset.done $0x0  }
0x78: {  	s12 =	rddreg [dreg:$0x5];
	[sflag:s3] =	ssyncadd.s32 $0xFFFFD300  }
0x79: {  	[hbm4b:s12+s9] =	stream.linear.scatter [tilespmem:s4], [sflag:$0x2], $0x2D00, $0x38;
	[tilespmem:$0x1E500] =	vst v63  }
0x7a: {  	_ =	swait.ge [sflag:s3], $0x2D00  }
0x7b: {  	[sflag:s3] =	ssyncset.done $0x0  }
0x7c: {  	[sflag:s3] =	ssyncadd.s32 $0xFFFFD300  }
0x7d: {  	[tilespmem:s4], [sflag:$0x2] =	stream.linear.gather [spmem:s28], $0x2D00, $0x38;
	[tilespmem:$0x1E500] =	vst v63  }
0x7e: {  	_ =	swait.ge [sflag:s3], $0x2D00  }
0x7f: {  	[sflag:s3] =	ssyncset.done $0x0  }
0x80: {  	s10 =	rddreg [dreg:$0x6];
	[sflag:s3] =	ssyncadd.s32 $0xFFFFD300  }
0x81: {  	[hbm4b:s10+s9] =	stream.linear.scatter [tilespmem:s4], [sflag:$0x2], $0x2D00, $0x38;
	[tilespmem:$0x1E500] =	vst v63  }
0x82: {  	_ =	swait.ge [sflag:s3], $0x2D00  }
0x83: {  	[sflag:s3] =	ssyncset.done $0x0  }
0x84: {  	[sflag:s3] =	ssyncadd.s32 $0xFFFFD300  }
0x85: {  	[tilespmem:s4], [sflag:$0x2] =	stream.linear.gather [spmem:s29], $0x2D00, $0x38;
	[tilespmem:$0x1E500] =	vst v63  }
0x86: {  	_ =	swait.ge [sflag:s3], $0x2D00  }
0x87: {  	[sflag:s3] =	ssyncset.done $0x0  }
0x88: {  	s11 =	rddreg [dreg:$0x7];
	[sflag:s3] =	ssyncadd.s32 $0xFFFFD300  }
0x89: {  	[hbm4b:s11+s9] =	stream.linear.scatter [tilespmem:s4], [sflag:$0x2], $0x2D00, $0x38;
	[tilespmem:$0x1E500] =	vst v63  }
0x8a: {  	_ =	swait.ge [sflag:s3], $0x2D00  }
0x8b: {  	[sflag:s3] =	ssyncset.done $0x0  }
0x8c: {  	[sflag:s3] =	ssyncadd.s32 $0xFFFFD300  }
0x8d: {  	[tilespmem:s4], [sflag:$0x2] =	stream.linear.gather [spmem:s30], $0x2D00, $0x38;
	[tilespmem:$0x1E500] =	vst v63  }
0x8e: {  	_ =	swait.ge [sflag:s3], $0x2D00  }
0x8f: {  	[sflag:s3] =	ssyncset.done $0x0  }
0x90: {  	s12 =	rddreg [dreg:$0x8];
	[sflag:s3] =	ssyncadd.s32 $0xFFFFD300  }
0x91: {  	[hbm4b:s12+s9] =	stream.linear.scatter [tilespmem:s4], [sflag:$0x2], $0x2D00, $0x38;
	[tilespmem:$0x1E500] =	vst v63  }
0x92: {  	_ =	swait.ge [sflag:s3], $0x2D00  }
0x93: {  	[sflag:s3] =	ssyncset.done $0x0  }
0x94: {  	[sflag:s3] =	ssyncadd.s32 $0xFFFFD300  }
0x95: {  	[tilespmem:s4], [sflag:$0x2] =	stream.linear.gather [spmem:s31], $0x2D00, $0x38;
	[tilespmem:$0x1E500] =	vst v63  }
0x96: {  	_ =	swait.ge [sflag:s3], $0x2D00  }
0x97: {  	[sflag:s3] =	ssyncset.done $0x0  }
0x98: {  	s10 =	rddreg [dreg:$0x9];
	[sflag:s3] =	ssyncadd.s32 $0xFFFFD300  }
0x99: {  	[hbm4b:s10+s9] =	stream.linear.scatter [tilespmem:s4], [sflag:$0x2], $0x2D00, $0x38;
	[tilespmem:$0x1E500] =	vst v63  }
0x9a: {  	_ =	swait.ge [sflag:s3], $0x2D00  }
0x9b: {  	[sflag:s3] =	ssyncset.done $0x0  }
0x9c: {  	[sflag:s3] =	ssyncadd.s32 $0xFFFFD300  }
0x9d: {  	[tilespmem:s4], [sflag:$0x2] =	stream.linear.gather [spmem:s1], $0x2D00, $0x38;
	[tilespmem:$0x1E500] =	vst v63  }
0x9e: {  	_ =	swait.ge [sflag:s3], $0x2D00  }
0x9f: {  	[sflag:s3] =	ssyncset.done $0x0  }
0xa0: {  	s11 =	rddreg [dreg:$0xa];
	[sflag:s3] =	ssyncadd.s32 $0xFFFFD300  }
0xa1: {  	[hbm4b:s11+s9] =	stream.linear.scatter [tilespmem:s4], [sflag:$0x2], $0x2D00, $0x38;
	[tilespmem:$0x1E500] =	vst v63  }
0xa2: {  	_ =	swait.ge [sflag:s3], $0x2D00  }
0xa3: {  	[sflag:s3] =	ssyncset.done $0x0  }
0xa4: {  	[sflag:s3] =	ssyncadd.s32 $0xFFFFD300  }
0xa5: {  	[tilespmem:s4], [sflag:$0x2] =	stream.linear.gather [spmem:s0], $0x2D00, $0x38;
	[tilespmem:$0x1E500] =	vst v63  }
0xa6: {  	s7 =	sadd.s32 $0x1, s7;
	_ =	swait.ge [sflag:s3], $0x2D00  }
0xa7: {  	p0 =	sne.s32 s7, s17;
	[sflag:s3] =	ssyncset.done $0x0  }
.Ltmp1:
0xa8: {  	s12 =	rddreg [dreg:$0xb];
	[sflag:s3] =	ssyncadd.s32 $0xFFFFD300;
	(pc) =	sbr.rel @p0 .LBB2_1-.Ltmp1, $4  }
0xa9: {  	[hbm4b:s12+s9] =	stream.linear.scatter [tilespmem:s4], [sflag:$0x2], $0x2D00, $0x38;
	[tilespmem:$0x1E500] =	vst v63  }
0xaa: {  	_ =	swait.ge [sflag:s3], $0x2D00  }
0xab: {  	[sflag:s3] =	ssyncset.done $0x0  }
0xac: {  	[sflag:s3] =	ssyncadd.s32 $0xFFFFD300  }
0xad: {  	_ =	sfence.sel $0x180000  }
0xae: {  	[bflag:$0x0] =	sbarrier.arrive $0xFFFF  }
0xaf: {  	_ =	strace $0x90000047  }
0xb0: {  	s0 =	stileid.u32;
	[bflag:$0x2] =	sbarrier.arrive $0xFFFF  }
0xb1: {  	p0 =	sne.s32 s0, $0x0;
	s0 =	rddreg [dreg:$0x3]  }
0xb2: {  	s0 =	sadd.s32 @!p0 $0x100000, s0  }
0xb3: {  	[sflag:s0] =	ssyncadd.tile.s32 @!p0 $0x1;
	_ =	shalt  }
.Lfunc_end2:
_tile_overlayer_lowered:
.L_overlay_start_2:
0xb4: {  	(tag) =	ssettag $0x2  }
0xb5: {  	s0 =	rddreg [dreg:$0x0];
	s2 =	stileid.u32  }
0xb6: {  	s1 =	rddreg [dreg:$0x1];
	p0 =	sne.s32 s2, $0x0  }
0xb7: {  	s3 =	rddreg [dreg:$0x2];
	[bflag:$0x3] =	sbarrier.arrive $0xFFFF;
	s2 =	simm.s32 @!p0 $0x1C02  }
0xb8: {  	[timem:s3], [sflag:s2] =	dma.local @!p0 [hbm:s0], s1  }
0xb9: {  	s0 =	simm.s32 @!p0 $0x2  }
0xba: {  	_ =	swait.ge @!p0 [sflag:s0], s1  }
0xbb: {  	s1 =	ssub.s32 @!p0 $0x0, s1;
	[sflag:s0] =	ssyncset.done @!p0 $0x0  }
0xbc: {  	[sflag:s0] =	ssyncadd.s32 @!p0 s1  }
0xbd: {  	[bflag:$0x3] =	sbarrier.arrive $0xFFFF  }
0xbe: {  	_ =	shalt  }

</sc_bundles>
